<compile_context>
chip_gen: v7x
topology: tpu7x:2x2x1
jax: 0.10.2.dev20260603
libtpu: 0.0.44.dev20260713+nightly
codegen_flags: <defaults>
</compile_context>

<pallas_src>
import functools

import jax
import jax.numpy as jnp
from jax import lax
from jax.experimental import pallas as pl
from jax.experimental.pallas import tpu as pltpu
from jax.experimental.pallas import tpu_sc as plsc

_B = 16384
_D = 33
_NC = 2
_NS = 16
_NW = _NC * _NS
_BPW = _B // _NW
_L = 16
_NGROUP = _BPW // _L
_DP = 48


_NQ = 1
_GPQ = _NGROUP // _NQ
_RPQ = _BPW // _NQ


def _sc_body(
    ids_hbm, glog_hbm, table_hbm, out_hbm, ids_v, rows_v, outt_v, glog_v, *sems
):
    wid = lax.axis_index("s") * _NC + lax.axis_index("c")
    base = wid * _BPW

    pltpu.sync_copy(glog_hbm, glog_v.at[pl.ds(0, _D)])
    pltpu.sync_copy(ids_hbm.at[pl.ds(base, _BPW)], ids_v)

    for q in range(_NQ):
        sem = sems[q]

        def enqueue(g, carry, sem=sem):
            vid = ids_v[pl.ds(g * _L, _L)]
            for k in range(_L):
                sid = vid[k]
                pltpu.async_copy(
                    table_hbm.at[sid], rows_v.at[g * _L + k, pl.ds(0, _D)], sem
                )
            return carry

        lax.fori_loop(q * _GPQ, (q + 1) * _GPQ, enqueue, 0)

    g0 = glog_v[pl.ds(0, _L)]
    g1 = glog_v[pl.ds(_L, _L)]
    g2 = glog_v[pl.ds(2 * _L, _L)]
    glog_s = [g0[j] for j in range(_L)] + [g1[j] for j in range(_L)] + [g2[0]]

    col_idx = [jnp.full((_L,), j, jnp.int32) for j in range(_D)]

    for q in range(_NQ):
        sem = sems[q]

        def drain(r, carry, sem=sem):
            for _ in range(8):
                pltpu.make_async_copy(
                    table_hbm.at[0], rows_v.at[0, pl.ds(0, _D)], sem
                ).wait()
            return carry

        lax.fori_loop(0, _RPQ // 8, drain, 0)

        @plsc.parallel_loop(q * _GPQ, (q + 1) * _GPQ)
        def group_body(g):
            row_idx = g * _L + lax.iota(jnp.int32, 16)
            fidx = [[row_idx, col_idx[j]] for j in range(_D)]
            es = [
                jnp.exp(plsc.load_gather(rows_v, fidx[j]) + glog_s[j])
                for j in range(_D)
            ]
            acc = list(es)
            while len(acc) > 1:
                nxt = [acc[i] + acc[i + 1] for i in range(0, len(acc) - 1, 2)]
                if len(acc) % 2:
                    nxt.append(acc[-1])
                acc = nxt
            inv = 1.0 / acc[0]
            for j in range(_D):
                outt_v[j, pl.ds(g * _L, _L)] = es[j] * inv

    pltpu.sync_copy(outt_v, out_hbm.at[pl.ds(0, _D), pl.ds(base, _BPW)])


@functools.partial(
    pl.kernel,
    out_type=jax.ShapeDtypeStruct((_D, _B), jnp.float32),
    mesh=plsc.VectorSubcoreMesh(core_axis_name="c", subcore_axis_name="s"),
    scratch_types=[
        pltpu.VMEM((_BPW,), jnp.int32),
        pltpu.VMEM((_BPW, _DP), jnp.float32),
        pltpu.VMEM((_D, _BPW), jnp.float32),
        pltpu.VMEM((3 * _L,), jnp.float32),
        pltpu.SemaphoreType.DMA,
    ],
    compiler_params=pltpu.CompilerParams(
        needs_layout_passes=False,
        use_tc_tiling_on_sc=True,
        skip_device_barrier=True,
    ),
)
def _mixer(
    ids_hbm, glog_hbm, table_hbm, out_hbm, ids_v, rows_v, outt_v, glog_v, *sems
):
    _sc_body(
        ids_hbm, glog_hbm, table_hbm, out_hbm, ids_v, rows_v, outt_v, glog_v, *sems
    )


def kernel(subject_ids, global_logits, subject_bias):
    out = _mixer(subject_ids, global_logits, subject_bias)
    return out.T

# --- scband reference (transcript-rebuilt; emitter-appended) ---
"""Pipeline reference for scband-subject-aware-layer-mixer-34325378630071 (READ-ONLY COPY).

The authoritative reference and input builder live on the scoring server;
editing this copy changes nothing except your own understanding.
"""

import jax, jax.numpy as jnp
import numpy as np

B = 16384
NUM_SUBJECTS = 100000
LAYER_IDS = np.arange(33)
PRIOR_CENTER = 28
PRIOR_STRENGTH = 1.0
TEMPERATURE = 1.0


def setup_inputs(seed: int = 0) -> dict:
    key = jax.random.key(seed)
    k1, k2 = jax.random.split(key)
    subject_ids = jax.random.randint(k1, (B,), 0, NUM_SUBJECTS, dtype=jnp.int32)
    # global_logits initialized per module: -prior_strength * |layer_id - prior_center| / step (step=1)
    layer_ids_tensor = jnp.asarray(LAYER_IDS, dtype=jnp.float32)
    dist = jnp.abs(layer_ids_tensor - float(PRIOR_CENTER)) / 1.0
    global_logits = -PRIOR_STRENGTH * dist
    # subject_bias embedding table (learned); zeros at init, use small random values here
    subject_bias = jax.random.normal(k2, (NUM_SUBJECTS, len(LAYER_IDS)), dtype=jnp.float32) * 0.01
    return {"subject_ids": subject_ids, "global_logits": global_logits, "subject_bias": subject_bias}


def reference(subject_ids, global_logits, subject_bias):
    # eval mode: no subject_dropout, force_global=False
    bsz = subject_ids.shape[0]
    logits = jnp.broadcast_to(global_logits[None, :], (bsz, global_logits.shape[0]))
    bias = jnp.take(subject_bias, subject_ids, axis=0)  # embedding lookup (gather)
    logits = logits + bias
    weights = jax.nn.softmax(logits / TEMPERATURE, axis=-1)
    return weights

if __name__ == "__main__":
    import jax
    _d = setup_inputs()
    print(jax.jit(kernel)(*tuple(_d.values())))

</pallas_src>

<mosaic_0001>
#map = affine_map<(d0, d1) -> (0)>
#map1 = affine_map<(d0, d1) -> (0, 0)>
module attributes {stable_mosaic.version = 14 : i64} {
  func.func @_mixer(%arg0: i32, %arg1: i32, %arg2: memref<16384xi32, #tpu.memory_space<hbm>>, %arg3: memref<33xf32, #tpu.memory_space<hbm>>, %arg4: memref<100000x33xf32, #tpu.memory_space<hbm>>, %arg5: memref<33x16384xf32, #tpu.memory_space<hbm>>, %arg6: memref<512xi32, #tpu.memory_space<vmem>>, %arg7: memref<512x48xf32, #tpu.memory_space<vmem>>, %arg8: memref<33x512xf32, #tpu.memory_space<vmem>>, %arg9: memref<48xf32, #tpu.memory_space<vmem>>, %arg10: memref<!tpu.dma_semaphore, #tpu.memory_space<semaphore_mem>>) attributes {dimension_semantics = [#tpu.dimension_semantics<core_parallel>, #tpu.dimension_semantics<subcore_parallel>], iteration_bounds = array<i64: 2, 16>, scalar_prefetch = 0 : i64, scratch_operands = 5 : i64, tpu.core_type = #tpu.core_type<sc_vector_subcore>, window_params = [{transform_indices = #map}, {transform_indices = #map}, {transform_indices = #map1}, {transform_indices = #map1}]} {
    %mul3A = arith.constant 2 : i32
    %mul3A_0 = arith.muli %arg1, %mul3A : i32
    %add3A = arith.addi %mul3A_0, %arg0 : i32
    %mul3A_1 = arith.constant 512 : i32
    %mul3A_2 = arith.muli %add3A, %mul3A_1 : i32
    "tpu.region"() ({
      %run_scoped3A = tpu.sem_alloc : memref<!tpu.dma_semaphore, #tpu.memory_space<semaphore_mem>>
      %dma_start3A = arith.constant 0 : i32
      %dma_start3A_150 = tpu.memref_slice %arg9[%dma_start3A] : memref<48xf32, #tpu.memory_space<vmem>> -> memref<33xf32, #tpu.memory_space<vmem>>
      %dma_start3A_151 = arith.constant 0 : i32
      %dma_start3A_152 = tpu.memref_slice %arg9[%dma_start3A_151] : memref<48xf32, #tpu.memory_space<vmem>> -> memref<33xf32, #tpu.memory_space<vmem>>
      tpu.enqueue_dma source(%arg3 : memref<33xf32, #tpu.memory_space<hbm>>) target(%dma_start3A_152 : memref<33xf32, #tpu.memory_space<vmem>>) target_semaphore(%run_scoped3A : memref<!tpu.dma_semaphore, #tpu.memory_space<semaphore_mem>>)
      %dma_wait3A = arith.constant 0 : i32
      %dma_wait3A_153 = tpu.memref_slice %arg9[%dma_wait3A] : memref<48xf32, #tpu.memory_space<vmem>> -> memref<33xf32, #tpu.memory_space<vmem>>
      %dma_wait3A_154 = arith.constant 0 : i32
      %dma_wait3A_155 = tpu.memref_slice %arg9[%dma_wait3A_154] : memref<48xf32, #tpu.memory_space<vmem>> -> memref<33xf32, #tpu.memory_space<vmem>>
      tpu.wait_dma2 semaphore(%run_scoped3A : memref<!tpu.dma_semaphore, #tpu.memory_space<semaphore_mem>>) src(%arg3 : memref<33xf32, #tpu.memory_space<hbm>>) dst(%dma_wait3A_155 : memref<33xf32, #tpu.memory_space<vmem>>)
      tpu.yield
    }) : () -> ()
    "tpu.region"() ({
      %run_scoped3A = tpu.sem_alloc : memref<!tpu.dma_semaphore, #tpu.memory_space<semaphore_mem>>
      %dma_start3A = tpu.memref_slice %arg2[%mul3A_2] : memref<16384xi32, #tpu.memory_space<hbm>> -> memref<512xi32, #tpu.memory_space<hbm>>
      %dma_start3A_150 = tpu.memref_slice %arg2[%mul3A_2] : memref<16384xi32, #tpu.memory_space<hbm>> -> memref<512xi32, #tpu.memory_space<hbm>>
      tpu.enqueue_dma source(%dma_start3A_150 : memref<512xi32, #tpu.memory_space<hbm>>) target(%arg6 : memref<512xi32, #tpu.memory_space<vmem>>) target_semaphore(%run_scoped3A : memref<!tpu.dma_semaphore, #tpu.memory_space<semaphore_mem>>)
      %dma_wait3A = tpu.memref_slice %arg2[%mul3A_2] : memref<16384xi32, #tpu.memory_space<hbm>> -> memref<512xi32, #tpu.memory_space<hbm>>
      %dma_wait3A_151 = tpu.memref_slice %arg2[%mul3A_2] : memref<16384xi32, #tpu.memory_space<hbm>> -> memref<512xi32, #tpu.memory_space<hbm>>
      tpu.wait_dma2 semaphore(%run_scoped3A : memref<!tpu.dma_semaphore, #tpu.memory_space<semaphore_mem>>) src(%dma_wait3A_151 : memref<512xi32, #tpu.memory_space<hbm>>) dst(%arg6 : memref<512xi32, #tpu.memory_space<vmem>>)
      tpu.yield
    }) : () -> ()
    %scan3A = arith.constant 0 : i32
    %scan3A_3 = arith.constant 0 : i32
    %scan3A_4 = arith.constant 32 : i32
    %scan3A_5 = arith.addi %scan3A_3, %scan3A_4 : i32
    %scan3A_6 = arith.constant 1 : i32
    scf.for %scan3A_150 = %scan3A_3 to %scan3A_5 step %scan3A_6  : i32 {
      %mul3A_151 = arith.constant 16 : i32
      %mul3A_152 = arith.muli %scan3A_150, %mul3A_151 : i32
      %get3A_153 = arith.index_cast %mul3A_152 : i32 to index
      %get3A_154 = tpu.vector_load %arg6[%get3A_153] {strides = array<i32>} : memref<512xi32, #tpu.memory_space<vmem>>, vector<16xi32>,
      %slice3A_155 = vector.extract_strided_slice %get3A_154 {offsets = [0], sizes = [1], strides = [1]} : vector<16xi32> to vector<1xi32>
      %squeeze3A_156 = vector.extract %slice3A_155[0] : i32 from vector<1xi32>
      %mul3A_157 = arith.constant 16 : i32
      %mul3A_158 = arith.muli %scan3A_150, %mul3A_157 : i32
      %add3A_159 = arith.constant 0 : i32
      %add3A_160 = arith.addi %mul3A_158, %add3A_159 : i32
      %dma_start3A = arith.constant 0 : i32
      %dma_start3A_161 = tpu.memref_slice %arg7[%add3A_160, %dma_start3A] : memref<512x48xf32, #tpu.memory_space<vmem>> -> memref<1x33xf32, #tpu.memory_space<vmem>>
      %dma_start3A_162 = tpu.memref_squeeze %dma_start3A_161 : memref<1x33xf32, #tpu.memory_space<vmem>> -> memref<33xf32, #tpu.memory_space<vmem>>
      %dma_start3A_163 = arith.constant 0 : i32
      %dma_start3A_164 = tpu.memref_slice %arg4[%squeeze3A_156, %dma_start3A_163] : memref<100000x33xf32, #tpu.memory_space<hbm>> -> memref<1x33xf32, #tpu.memory_space<hbm>>
      %dma_start3A_165 = tpu.memref_squeeze %dma_start3A_164 : memref<1x33xf32, #tpu.memory_space<hbm>> -> memref<33xf32, #tpu.memory_space<hbm>>
      %dma_start3A_166 = arith.constant 0 : i32
      %dma_start3A_167 = tpu.memref_slice %arg7[%add3A_160, %dma_start3A_166] : memref<512x48xf32, #tpu.memory_space<vmem>> -> memref<1x33xf32, #tpu.memory_space<vmem>>
      %dma_start3A_168 = tpu.memref_squeeze %dma_start3A_167 : memref<1x33xf32, #tpu.memory_space<vmem>> -> memref<33xf32, #tpu.memory_space<vmem>>
      %dma_start3A_169 = arith.constant 0 : i32
      %dma_start3A_170 = tpu.memref_slice %arg4[%squeeze3A_156, %dma_start3A_169] : memref<100000x33xf32, #tpu.memory_space<hbm>> -> memref<1x33xf32, #tpu.memory_space<hbm>>
      %dma_start3A_171 = tpu.memref_squeeze %dma_start3A_170 : memref<1x33xf32, #tpu.memory_space<hbm>> -> memref<33xf32, #tpu.memory_space<hbm>>
      tpu.enqueue_dma source(%dma_start3A_171 : memref<33xf32, #tpu.memory_space<hbm>>) target(%dma_start3A_168 : memref<33xf32, #tpu.memory_space<vmem>>) target_semaphore(%arg10 : memref<!tpu.dma_semaphore, #tpu.memory_space<semaphore_mem>>)
      %slice3A_172 = vector.extract_strided_slice %get3A_154 {offsets = [1], sizes = [1], strides = [1]} : vector<16xi32> to vector<1xi32>
      %squeeze3A_173 = vector.extract %slice3A_172[0] : i32 from vector<1xi32>
      %mul3A_174 = arith.constant 16 : i32
      %mul3A_175 = arith.muli %scan3A_150, %mul3A_174 : i32
      %add3A_176 = arith.constant 1 : i32
      %add3A_177 = arith.addi %mul3A_175, %add3A_176 : i32
      %dma_start3A_178 = arith.constant 0 : i32
      %dma_start3A_179 = tpu.memref_slice %arg7[%add3A_177, %dma_start3A_178] : memref<512x48xf32, #tpu.memory_space<vmem>> -> memref<1x33xf32, #tpu.memory_space<vmem>>
      %dma_start3A_180 = tpu.memref_squeeze %dma_start3A_179 : memref<1x33xf32, #tpu.memory_space<vmem>> -> memref<33xf32, #tpu.memory_space<vmem>>
      %dma_start3A_181 = arith.constant 0 : i32
      %dma_start3A_182 = tpu.memref_slice %arg4[%squeeze3A_173, %dma_start3A_181] : memref<100000x33xf32, #tpu.memory_space<hbm>> -> memref<1x33xf32, #tpu.memory_space<hbm>>
      %dma_start3A_183 = tpu.memref_squeeze %dma_start3A_182 : memref<1x33xf32, #tpu.memory_space<hbm>> -> memref<33xf32, #tpu.memory_space<hbm>>
      %dma_start3A_184 = arith.constant 0 : i32
      %dma_start3A_185 = tpu.memref_slice %arg7[%add3A_177, %dma_start3A_184] : memref<512x48xf32, #tpu.memory_space<vmem>> -> memref<1x33xf32, #tpu.memory_space<vmem>>
      %dma_start3A_186 = tpu.memref_squeeze %dma_start3A_185 : memref<1x33xf32, #tpu.memory_space<vmem>> -> memref<33xf32, #tpu.memory_space<vmem>>
      %dma_start3A_187 = arith.constant 0 : i32
      %dma_start3A_188 = tpu.memref_slice %arg4[%squeeze3A_173, %dma_start3A_187] : memref<100000x33xf32, #tpu.memory_space<hbm>> -> memref<1x33xf32, #tpu.memory_space<hbm>>
      %dma_start3A_189 = tpu.memref_squeeze %dma_start3A_188 : memref<1x33xf32, #tpu.memory_space<hbm>> -> memref<33xf32, #tpu.memory_space<hbm>>
      tpu.enqueue_dma source(%dma_start3A_189 : memref<33xf32, #tpu.memory_space<hbm>>) target(%dma_start3A_186 : memref<33xf32, #tpu.memory_space<vmem>>) target_semaphore(%arg10 : memref<!tpu.dma_semaphore, #tpu.memory_space<semaphore_mem>>)
      %slice3A_190 = vector.extract_strided_slice %get3A_154 {offsets = [2], sizes = [1], strides = [1]} : vector<16xi32> to vector<1xi32>
      %squeeze3A_191 = vector.extract %slice3A_190[0] : i32 from vector<1xi32>
      %mul3A_192 = arith.constant 16 : i32
      %mul3A_193 = arith.muli %scan3A_150, %mul3A_192 : i32
      %add3A_194 = arith.constant 2 : i32
      %add3A_195 = arith.addi %mul3A_193, %add3A_194 : i32
      %dma_start3A_196 = arith.constant 0 : i32
      %dma_start3A_197 = tpu.memref_slice %arg7[%add3A_195, %dma_start3A_196] : memref<512x48xf32, #tpu.memory_space<vmem>> -> memref<1x33xf32, #tpu.memory_space<vmem>>
      %dma_start3A_198 = tpu.memref_squeeze %dma_start3A_197 : memref<1x33xf32, #tpu.memory_space<vmem>> -> memref<33xf32, #tpu.memory_space<vmem>>
      %dma_start3A_199 = arith.constant 0 : i32
      %dma_start3A_200 = tpu.memref_slice %arg4[%squeeze3A_191, %dma_start3A_199] : memref<100000x33xf32, #tpu.memory_space<hbm>> -> memref<1x33xf32, #tpu.memory_space<hbm>>
      %dma_start3A_201 = tpu.memref_squeeze %dma_start3A_200 : memref<1x33xf32, #tpu.memory_space<hbm>> -> memref<33xf32, #tpu.memory_space<hbm>>
      %dma_start3A_202 = arith.constant 0 : i32
      %dma_start3A_203 = tpu.memref_slice %arg7[%add3A_195, %dma_start3A_202] : memref<512x48xf32, #tpu.memory_space<vmem>> -> memref<1x33xf32, #tpu.memory_space<vmem>>
      %dma_start3A_204 = tpu.memref_squeeze %dma_start3A_203 : memref<1x33xf32, #tpu.memory_space<vmem>> -> memref<33xf32, #tpu.memory_space<vmem>>
      %dma_start3A_205 = arith.constant 0 : i32
      %dma_start3A_206 = tpu.memref_slice %arg4[%squeeze3A_191, %dma_start3A_205] : memref<100000x33xf32, #tpu.memory_space<hbm>> -> memref<1x33xf32, #tpu.memory_space<hbm>>
      %dma_start3A_207 = tpu.memref_squeeze %dma_start3A_206 : memref<1x33xf32, #tpu.memory_space<hbm>> -> memref<33xf32, #tpu.memory_space<hbm>>
      tpu.enqueue_dma source(%dma_start3A_207 : memref<33xf32, #tpu.memory_space<hbm>>) target(%dma_start3A_204 : memref<33xf32, #tpu.memory_space<vmem>>) target_semaphore(%arg10 : memref<!tpu.dma_semaphore, #tpu.memory_space<semaphore_mem>>)
      %slice3A_208 = vector.extract_strided_slice %get3A_154 {offsets = [3], sizes = [1], strides = [1]} : vector<16xi32> to vector<1xi32>
      %squeeze3A_209 = vector.extract %slice3A_208[0] : i32 from vector<1xi32>
      %mul3A_210 = arith.constant 16 : i32
      %mul3A_211 = arith.muli %scan3A_150, %mul3A_210 : i32
      %add3A_212 = arith.constant 3 : i32
      %add3A_213 = arith.addi %mul3A_211, %add3A_212 : i32
      %dma_start3A_214 = arith.constant 0 : i32
      %dma_start3A_215 = tpu.memref_slice %arg7[%add3A_213, %dma_start3A_214] : memref<512x48xf32, #tpu.memory_space<vmem>> -> memref<1x33xf32, #tpu.memory_space<vmem>>
      %dma_start3A_216 = tpu.memref_squeeze %dma_start3A_215 : memref<1x33xf32, #tpu.memory_space<vmem>> -> memref<33xf32, #tpu.memory_space<vmem>>
      %dma_start3A_217 = arith.constant 0 : i32
      %dma_start3A_218 = tpu.memref_slice %arg4[%squeeze3A_209, %dma_start3A_217] : memref<100000x33xf32, #tpu.memory_space<hbm>> -> memref<1x33xf32, #tpu.memory_space<hbm>>
      %dma_start3A_219 = tpu.memref_squeeze %dma_start3A_218 : memref<1x33xf32, #tpu.memory_space<hbm>> -> memref<33xf32, #tpu.memory_space<hbm>>
      %dma_start3A_220 = arith.constant 0 : i32
      %dma_start3A_221 = tpu.memref_slice %arg7[%add3A_213, %dma_start3A_220] : memref<512x48xf32, #tpu.memory_space<vmem>> -> memref<1x33xf32, #tpu.memory_space<vmem>>
      %dma_start3A_222 = tpu.memref_squeeze %dma_start3A_221 : memref<1x33xf32, #tpu.memory_space<vmem>> -> memref<33xf32, #tpu.memory_space<vmem>>
      %dma_start3A_223 = arith.constant 0 : i32
      %dma_start3A_224 = tpu.memref_slice %arg4[%squeeze3A_209, %dma_start3A_223] : memref<100000x33xf32, #tpu.memory_space<hbm>> -> memref<1x33xf32, #tpu.memory_space<hbm>>
      %dma_start3A_225 = tpu.memref_squeeze %dma_start3A_224 : memref<1x33xf32, #tpu.memory_space<hbm>> -> memref<33xf32, #tpu.memory_space<hbm>>
      tpu.enqueue_dma source(%dma_start3A_225 : memref<33xf32, #tpu.memory_space<hbm>>) target(%dma_start3A_222 : memref<33xf32, #tpu.memory_space<vmem>>) target_semaphore(%arg10 : memref<!tpu.dma_semaphore, #tpu.memory_space<semaphore_mem>>)
      %slice3A_226 = vector.extract_strided_slice %get3A_154 {offsets = [4], sizes = [1], strides = [1]} : vector<16xi32> to vector<1xi32>
      %squeeze3A_227 = vector.extract %slice3A_226[0] : i32 from vector<1xi32>
      %mul3A_228 = arith.constant 16 : i32
      %mul3A_229 = arith.muli %scan3A_150, %mul3A_228 : i32
      %add3A_230 = arith.constant 4 : i32
      %add3A_231 = arith.addi %mul3A_229, %add3A_230 : i32
      %dma_start3A_232 = arith.constant 0 : i32
      %dma_start3A_233 = tpu.memref_slice %arg7[%add3A_231, %dma_start3A_232] : memref<512x48xf32, #tpu.memory_space<vmem>> -> memref<1x33xf32, #tpu.memory_space<vmem>>
      %dma_start3A_234 = tpu.memref_squeeze %dma_start3A_233 : memref<1x33xf32, #tpu.memory_space<vmem>> -> memref<33xf32, #tpu.memory_space<vmem>>
      %dma_start3A_235 = arith.constant 0 : i32
      %dma_start3A_236 = tpu.memref_slice %arg4[%squeeze3A_227, %dma_start3A_235] : memref<100000x33xf32, #tpu.memory_space<hbm>> -> memref<1x33xf32, #tpu.memory_space<hbm>>
      %dma_start3A_237 = tpu.memref_squeeze %dma_start3A_236 : memref<1x33xf32, #tpu.memory_space<hbm>> -> memref<33xf32, #tpu.memory_space<hbm>>
      %dma_start3A_238 = arith.constant 0 : i32
      %dma_start3A_239 = tpu.memref_slice %arg7[%add3A_231, %dma_start3A_238] : memref<512x48xf32, #tpu.memory_space<vmem>> -> memref<1x33xf32, #tpu.memory_space<vmem>>
      %dma_start3A_240 = tpu.memref_squeeze %dma_start3A_239 : memref<1x33xf32, #tpu.memory_space<vmem>> -> memref<33xf32, #tpu.memory_space<vmem>>
      %dma_start3A_241 = arith.constant 0 : i32
      %dma_start3A_242 = tpu.memref_slice %arg4[%squeeze3A_227, %dma_start3A_241] : memref<100000x33xf32, #tpu.memory_space<hbm>> -> memref<1x33xf32, #tpu.memory_space<hbm>>
      %dma_start3A_243 = tpu.memref_squeeze %dma_start3A_242 : memref<1x33xf32, #tpu.memory_space<hbm>> -> memref<33xf32, #tpu.memory_space<hbm>>
      tpu.enqueue_dma source(%dma_start3A_243 : memref<33xf32, #tpu.memory_space<hbm>>) target(%dma_start3A_240 : memref<33xf32, #tpu.memory_space<vmem>>) target_semaphore(%arg10 : memref<!tpu.dma_semaphore, #tpu.memory_space<semaphore_mem>>)
      %slice3A_244 = vector.extract_strided_slice %get3A_154 {offsets = [5], sizes = [1], strides = [1]} : vector<16xi32> to vector<1xi32>
      %squeeze3A_245 = vector.extract %slice3A_244[0] : i32 from vector<1xi32>
      %mul3A_246 = arith.constant 16 : i32
      %mul3A_247 = arith.muli %scan3A_150, %mul3A_246 : i32
      %add3A_248 = arith.constant 5 : i32
      %add3A_249 = arith.addi %mul3A_247, %add3A_248 : i32
      %dma_start3A_250 = arith.constant 0 : i32
      %dma_start3A_251 = tpu.memref_slice %arg7[%add3A_249, %dma_start3A_250] : memref<512x48xf32, #tpu.memory_space<vmem>> -> memref<1x33xf32, #tpu.memory_space<vmem>>
      %dma_start3A_252 = tpu.memref_squeeze %dma_start3A_251 : memref<1x33xf32, #tpu.memory_space<vmem>> -> memref<33xf32, #tpu.memory_space<vmem>>
      %dma_start3A_253 = arith.constant 0 : i32
      %dma_start3A_254 = tpu.memref_slice %arg4[%squeeze3A_245, %dma_start3A_253] : memref<100000x33xf32, #tpu.memory_space<hbm>> -> memref<1x33xf32, #tpu.memory_space<hbm>>
      %dma_start3A_255 = tpu.memref_squeeze %dma_start3A_254 : memref<1x33xf32, #tpu.memory_space<hbm>> -> memref<33xf32, #tpu.memory_space<hbm>>
      %dma_start3A_256 = arith.constant 0 : i32
      %dma_start3A_257 = tpu.memref_slice %arg7[%add3A_249, %dma_start3A_256] : memref<512x48xf32, #tpu.memory_space<vmem>> -> memref<1x33xf32, #tpu.memory_space<vmem>>
      %dma_start3A_258 = tpu.memref_squeeze %dma_start3A_257 : memref<1x33xf32, #tpu.memory_space<vmem>> -> memref<33xf32, #tpu.memory_space<vmem>>
      %dma_start3A_259 = arith.constant 0 : i32
      %dma_start3A_260 = tpu.memref_slice %arg4[%squeeze3A_245, %dma_start3A_259] : memref<100000x33xf32, #tpu.memory_space<hbm>> -> memref<1x33xf32, #tpu.memory_space<hbm>>
      %dma_start3A_261 = tpu.memref_squeeze %dma_start3A_260 : memref<1x33xf32, #tpu.memory_space<hbm>> -> memref<33xf32, #tpu.memory_space<hbm>>
      tpu.enqueue_dma source(%dma_start3A_261 : memref<33xf32, #tpu.memory_space<hbm>>) target(%dma_start3A_258 : memref<33xf32, #tpu.memory_space<vmem>>) target_semaphore(%arg10 : memref<!tpu.dma_semaphore, #tpu.memory_space<semaphore_mem>>)
      %slice3A_262 = vector.extract_strided_slice %get3A_154 {offsets = [6], sizes = [1], strides = [1]} : vector<16xi32> to vector<1xi32>
      %squeeze3A_263 = vector.extract %slice3A_262[0] : i32 from vector<1xi32>
      %mul3A_264 = arith.constant 16 : i32
      %mul3A_265 = arith.muli %scan3A_150, %mul3A_264 : i32
      %add3A_266 = arith.constant 6 : i32
      %add3A_267 = arith.addi %mul3A_265, %add3A_266 : i32
      %dma_start3A_268 = arith.constant 0 : i32
      %dma_start3A_269 = tpu.memref_slice %arg7[%add3A_267, %dma_start3A_268] : memref<512x48xf32, #tpu.memory_space<vmem>> -> memref<1x33xf32, #tpu.memory_space<vmem>>
      %dma_start3A_270 = tpu.memref_squeeze %dma_start3A_269 : memref<1x33xf32, #tpu.memory_space<vmem>> -> memref<33xf32, #tpu.memory_space<vmem>>
      %dma_start3A_271 = arith.constant 0 : i32
      %dma_start3A_272 = tpu.memref_slice %arg4[%squeeze3A_263, %dma_start3A_271] : memref<100000x33xf32, #tpu.memory_space<hbm>> -> memref<1x33xf32, #tpu.memory_space<hbm>>
      %dma_start3A_273 = tpu.memref_squeeze %dma_start3A_272 : memref<1x33xf32, #tpu.memory_space<hbm>> -> memref<33xf32, #tpu.memory_space<hbm>>
      %dma_start3A_274 = arith.constant 0 : i32
      %dma_start3A_275 = tpu.memref_slice %arg7[%add3A_267, %dma_start3A_274] : memref<512x48xf32, #tpu.memory_space<vmem>> -> memref<1x33xf32, #tpu.memory_space<vmem>>
      %dma_start3A_276 = tpu.memref_squeeze %dma_start3A_275 : memref<1x33xf32, #tpu.memory_space<vmem>> -> memref<33xf32, #tpu.memory_space<vmem>>
      %dma_start3A_277 = arith.constant 0 : i32
      %dma_start3A_278 = tpu.memref_slice %arg4[%squeeze3A_263, %dma_start3A_277] : memref<100000x33xf32, #tpu.memory_space<hbm>> -> memref<1x33xf32, #tpu.memory_space<hbm>>
      %dma_start3A_279 = tpu.memref_squeeze %dma_start3A_278 : memref<1x33xf32, #tpu.memory_space<hbm>> -> memref<33xf32, #tpu.memory_space<hbm>>
      tpu.enqueue_dma source(%dma_start3A_279 : memref<33xf32, #tpu.memory_space<hbm>>) target(%dma_start3A_276 : memref<33xf32, #tpu.memory_space<vmem>>) target_semaphore(%arg10 : memref<!tpu.dma_semaphore, #tpu.memory_space<semaphore_mem>>)
      %slice3A_280 = vector.extract_strided_slice %get3A_154 {offsets = [7], sizes = [1], strides = [1]} : vector<16xi32> to vector<1xi32>
      %squeeze3A_281 = vector.extract %slice3A_280[0] : i32 from vector<1xi32>
      %mul3A_282 = arith.constant 16 : i32
      %mul3A_283 = arith.muli %scan3A_150, %mul3A_282 : i32
      %add3A_284 = arith.constant 7 : i32
      %add3A_285 = arith.addi %mul3A_283, %add3A_284 : i32
      %dma_start3A_286 = arith.constant 0 : i32
      %dma_start3A_287 = tpu.memref_slice %arg7[%add3A_285, %dma_start3A_286] : memref<512x48xf32, #tpu.memory_space<vmem>> -> memref<1x33xf32, #tpu.memory_space<vmem>>
      %dma_start3A_288 = tpu.memref_squeeze %dma_start3A_287 : memref<1x33xf32, #tpu.memory_space<vmem>> -> memref<33xf32, #tpu.memory_space<vmem>>
      %dma_start3A_289 = arith.constant 0 : i32
      %dma_start3A_290 = tpu.memref_slice %arg4[%squeeze3A_281, %dma_start3A_289] : memref<100000x33xf32, #tpu.memory_space<hbm>> -> memref<1x33xf32, #tpu.memory_space<hbm>>
      %dma_start3A_291 = tpu.memref_squeeze %dma_start3A_290 : memref<1x33xf32, #tpu.memory_space<hbm>> -> memref<33xf32, #tpu.memory_space<hbm>>
      %dma_start3A_292 = arith.constant 0 : i32
      %dma_start3A_293 = tpu.memref_slice %arg7[%add3A_285, %dma_start3A_292] : memref<512x48xf32, #tpu.memory_space<vmem>> -> memref<1x33xf32, #tpu.memory_space<vmem>>
      %dma_start3A_294 = tpu.memref_squeeze %dma_start3A_293 : memref<1x33xf32, #tpu.memory_space<vmem>> -> memref<33xf32, #tpu.memory_space<vmem>>
      %dma_start3A_295 = arith.constant 0 : i32
      %dma_start3A_296 = tpu.memref_slice %arg4[%squeeze3A_281, %dma_start3A_295] : memref<100000x33xf32, #tpu.memory_space<hbm>> -> memref<1x33xf32, #tpu.memory_space<hbm>>
      %dma_start3A_297 = tpu.memref_squeeze %dma_start3A_296 : memref<1x33xf32, #tpu.memory_space<hbm>> -> memref<33xf32, #tpu.memory_space<hbm>>
      tpu.enqueue_dma source(%dma_start3A_297 : memref<33xf32, #tpu.memory_space<hbm>>) target(%dma_start3A_294 : memref<33xf32, #tpu.memory_space<vmem>>) target_semaphore(%arg10 : memref<!tpu.dma_semaphore, #tpu.memory_space<semaphore_mem>>)
      %slice3A_298 = vector.extract_strided_slice %get3A_154 {offsets = [8], sizes = [1], strides = [1]} : vector<16xi32> to vector<1xi32>
      %squeeze3A_299 = vector.extract %slice3A_298[0] : i32 from vector<1xi32>
      %mul3A_300 = arith.constant 16 : i32
      %mul3A_301 = arith.muli %scan3A_150, %mul3A_300 : i32
      %add3A_302 = arith.constant 8 : i32
      %add3A_303 = arith.addi %mul3A_301, %add3A_302 : i32
      %dma_start3A_304 = arith.constant 0 : i32
      %dma_start3A_305 = tpu.memref_slice %arg7[%add3A_303, %dma_start3A_304] : memref<512x48xf32, #tpu.memory_space<vmem>> -> memref<1x33xf32, #tpu.memory_space<vmem>>
      %dma_start3A_306 = tpu.memref_squeeze %dma_start3A_305 : memref<1x33xf32, #tpu.memory_space<vmem>> -> memref<33xf32, #tpu.memory_space<vmem>>
      %dma_start3A_307 = arith.constant 0 : i32
      %dma_start3A_308 = tpu.memref_slice %arg4[%squeeze3A_299, %dma_start3A_307] : memref<100000x33xf32, #tpu.memory_space<hbm>> -> memref<1x33xf32, #tpu.memory_space<hbm>>
      %dma_start3A_309 = tpu.memref_squeeze %dma_start3A_308 : memref<1x33xf32, #tpu.memory_space<hbm>> -> memref<33xf32, #tpu.memory_space<hbm>>
      %dma_start3A_310 = arith.constant 0 : i32
      %dma_start3A_311 = tpu.memref_slice %arg7[%add3A_303, %dma_start3A_310] : memref<512x48xf32, #tpu.memory_space<vmem>> -> memref<1x33xf32, #tpu.memory_space<vmem>>
      %dma_start3A_312 = tpu.memref_squeeze %dma_start3A_311 : memref<1x33xf32, #tpu.memory_space<vmem>> -> memref<33xf32, #tpu.memory_space<vmem>>
      %dma_start3A_313 = arith.constant 0 : i32
      %dma_start3A_314 = tpu.memref_slice %arg4[%squeeze3A_299, %dma_start3A_313] : memref<100000x33xf32, #tpu.memory_space<hbm>> -> memref<1x33xf32, #tpu.memory_space<hbm>>
      %dma_start3A_315 = tpu.memref_squeeze %dma_start3A_314 : memref<1x33xf32, #tpu.memory_space<hbm>> -> memref<33xf32, #tpu.memory_space<hbm>>
      tpu.enqueue_dma source(%dma_start3A_315 : memref<33xf32, #tpu.memory_space<hbm>>) target(%dma_start3A_312 : memref<33xf32, #tpu.memory_space<vmem>>) target_semaphore(%arg10 : memref<!tpu.dma_semaphore, #tpu.memory_space<semaphore_mem>>)
      %slice3A_316 = vector.extract_strided_slice %get3A_154 {offsets = [9], sizes = [1], strides = [1]} : vector<16xi32> to vector<1xi32>
      %squeeze3A_317 = vector.extract %slice3A_316[0] : i32 from vector<1xi32>
      %mul3A_318 = arith.constant 16 : i32
      %mul3A_319 = arith.muli %scan3A_150, %mul3A_318 : i32
      %add3A_320 = arith.constant 9 : i32
      %add3A_321 = arith.addi %mul3A_319, %add3A_320 : i32
      %dma_start3A_322 = arith.constant 0 : i32
      %dma_start3A_323 = tpu.memref_slice %arg7[%add3A_321, %dma_start3A_322] : memref<512x48xf32, #tpu.memory_space<vmem>> -> memref<1x33xf32, #tpu.memory_space<vmem>>
      %dma_start3A_324 = tpu.memref_squeeze %dma_start3A_323 : memref<1x33xf32, #tpu.memory_space<vmem>> -> memref<33xf32, #tpu.memory_space<vmem>>
      %dma_start3A_325 = arith.constant 0 : i32
      %dma_start3A_326 = tpu.memref_slice %arg4[%squeeze3A_317, %dma_start3A_325] : memref<100000x33xf32, #tpu.memory_space<hbm>> -> memref<1x33xf32, #tpu.memory_space<hbm>>
      %dma_start3A_327 = tpu.memref_squeeze %dma_start3A_326 : memref<1x33xf32, #tpu.memory_space<hbm>> -> memref<33xf32, #tpu.memory_space<hbm>>
      %dma_start3A_328 = arith.constant 0 : i32
      %dma_start3A_329 = tpu.memref_slice %arg7[%add3A_321, %dma_start3A_328] : memref<512x48xf32, #tpu.memory_space<vmem>> -> memref<1x33xf32, #tpu.memory_space<vmem>>
      %dma_start3A_330 = tpu.memref_squeeze %dma_start3A_329 : memref<1x33xf32, #tpu.memory_space<vmem>> -> memref<33xf32, #tpu.memory_space<vmem>>
      %dma_start3A_331 = arith.constant 0 : i32
      %dma_start3A_332 = tpu.memref_slice %arg4[%squeeze3A_317, %dma_start3A_331] : memref<100000x33xf32, #tpu.memory_space<hbm>> -> memref<1x33xf32, #tpu.memory_space<hbm>>
      %dma_start3A_333 = tpu.memref_squeeze %dma_start3A_332 : memref<1x33xf32, #tpu.memory_space<hbm>> -> memref<33xf32, #tpu.memory_space<hbm>>
      tpu.enqueue_dma source(%dma_start3A_333 : memref<33xf32, #tpu.memory_space<hbm>>) target(%dma_start3A_330 : memref<33xf32, #tpu.memory_space<vmem>>) target_semaphore(%arg10 : memref<!tpu.dma_semaphore, #tpu.memory_space<semaphore_mem>>)
      %slice3A_334 = vector.extract_strided_slice %get3A_154 {offsets = [10], sizes = [1], strides = [1]} : vector<16xi32> to vector<1xi32>
      %squeeze3A_335 = vector.extract %slice3A_334[0] : i32 from vector<1xi32>
      %mul3A_336 = arith.constant 16 : i32
      %mul3A_337 = arith.muli %scan3A_150, %mul3A_336 : i32
      %add3A_338 = arith.constant 10 : i32
      %add3A_339 = arith.addi %mul3A_337, %add3A_338 : i32
      %dma_start3A_340 = arith.constant 0 : i32
      %dma_start3A_341 = tpu.memref_slice %arg7[%add3A_339, %dma_start3A_340] : memref<512x48xf32, #tpu.memory_space<vmem>> -> memref<1x33xf32, #tpu.memory_space<vmem>>
      %dma_start3A_342 = tpu.memref_squeeze %dma_start3A_341 : memref<1x33xf32, #tpu.memory_space<vmem>> -> memref<33xf32, #tpu.memory_space<vmem>>
      %dma_start3A_343 = arith.constant 0 : i32
      %dma_start3A_344 = tpu.memref_slice %arg4[%squeeze3A_335, %dma_start3A_343] : memref<100000x33xf32, #tpu.memory_space<hbm>> -> memref<1x33xf32, #tpu.memory_space<hbm>>
      %dma_start3A_345 = tpu.memref_squeeze %dma_start3A_344 : memref<1x33xf32, #tpu.memory_space<hbm>> -> memref<33xf32, #tpu.memory_space<hbm>>
      %dma_start3A_346 = arith.constant 0 : i32
      %dma_start3A_347 = tpu.memref_slice %arg7[%add3A_339, %dma_start3A_346] : memref<512x48xf32, #tpu.memory_space<vmem>> -> memref<1x33xf32, #tpu.memory_space<vmem>>
      %dma_start3A_348 = tpu.memref_squeeze %dma_start3A_347 : memref<1x33xf32, #tpu.memory_space<vmem>> -> memref<33xf32, #tpu.memory_space<vmem>>
      %dma_start3A_349 = arith.constant 0 : i32
      %dma_start3A_350 = tpu.memref_slice %arg4[%squeeze3A_335, %dma_start3A_349] : memref<100000x33xf32, #tpu.memory_space<hbm>> -> memref<1x33xf32, #tpu.memory_space<hbm>>
      %dma_start3A_351 = tpu.memref_squeeze %dma_start3A_350 : memref<1x33xf32, #tpu.memory_space<hbm>> -> memref<33xf32, #tpu.memory_space<hbm>>
      tpu.enqueue_dma source(%dma_start3A_351 : memref<33xf32, #tpu.memory_space<hbm>>) target(%dma_start3A_348 : memref<33xf32, #tpu.memory_space<vmem>>) target_semaphore(%arg10 : memref<!tpu.dma_semaphore, #tpu.memory_space<semaphore_mem>>)
      %slice3A_352 = vector.extract_strided_slice %get3A_154 {offsets = [11], sizes = [1], strides = [1]} : vector<16xi32> to vector<1xi32>
      %squeeze3A_353 = vector.extract %slice3A_352[0] : i32 from vector<1xi32>
      %mul3A_354 = arith.constant 16 : i32
      %mul3A_355 = arith.muli %scan3A_150, %mul3A_354 : i32
      %add3A_356 = arith.constant 11 : i32
      %add3A_357 = arith.addi %mul3A_355, %add3A_356 : i32
      %dma_start3A_358 = arith.constant 0 : i32
      %dma_start3A_359 = tpu.memref_slice %arg7[%add3A_357, %dma_start3A_358] : memref<512x48xf32, #tpu.memory_space<vmem>> -> memref<1x33xf32, #tpu.memory_space<vmem>>
      %dma_start3A_360 = tpu.memref_squeeze %dma_start3A_359 : memref<1x33xf32, #tpu.memory_space<vmem>> -> memref<33xf32, #tpu.memory_space<vmem>>
      %dma_start3A_361 = arith.constant 0 : i32
      %dma_start3A_362 = tpu.memref_slice %arg4[%squeeze3A_353, %dma_start3A_361] : memref<100000x33xf32, #tpu.memory_space<hbm>> -> memref<1x33xf32, #tpu.memory_space<hbm>>
      %dma_start3A_363 = tpu.memref_squeeze %dma_start3A_362 : memref<1x33xf32, #tpu.memory_space<hbm>> -> memref<33xf32, #tpu.memory_space<hbm>>
      %dma_start3A_364 = arith.constant 0 : i32
      %dma_start3A_365 = tpu.memref_slice %arg7[%add3A_357, %dma_start3A_364] : memref<512x48xf32, #tpu.memory_space<vmem>> -> memref<1x33xf32, #tpu.memory_space<vmem>>
      %dma_start3A_366 = tpu.memref_squeeze %dma_start3A_365 : memref<1x33xf32, #tpu.memory_space<vmem>> -> memref<33xf32, #tpu.memory_space<vmem>>
      %dma_start3A_367 = arith.constant 0 : i32
      %dma_start3A_368 = tpu.memref_slice %arg4[%squeeze3A_353, %dma_start3A_367] : memref<100000x33xf32, #tpu.memory_space<hbm>> -> memref<1x33xf32, #tpu.memory_space<hbm>>
      %dma_start3A_369 = tpu.memref_squeeze %dma_start3A_368 : memref<1x33xf32, #tpu.memory_space<hbm>> -> memref<33xf32, #tpu.memory_space<hbm>>
      tpu.enqueue_dma source(%dma_start3A_369 : memref<33xf32, #tpu.memory_space<hbm>>) target(%dma_start3A_366 : memref<33xf32, #tpu.memory_space<vmem>>) target_semaphore(%arg10 : memref<!tpu.dma_semaphore, #tpu.memory_space<semaphore_mem>>)
      %slice3A_370 = vector.extract_strided_slice %get3A_154 {offsets = [12], sizes = [1], strides = [1]} : vector<16xi32> to vector<1xi32>
      %squeeze3A_371 = vector.extract %slice3A_370[0] : i32 from vector<1xi32>
      %mul3A_372 = arith.constant 16 : i32
      %mul3A_373 = arith.muli %scan3A_150, %mul3A_372 : i32
      %add3A_374 = arith.constant 12 : i32
      %add3A_375 = arith.addi %mul3A_373, %add3A_374 : i32
      %dma_start3A_376 = arith.constant 0 : i32
      %dma_start3A_377 = tpu.memref_slice %arg7[%add3A_375, %dma_start3A_376] : memref<512x48xf32, #tpu.memory_space<vmem>> -> memref<1x33xf32, #tpu.memory_space<vmem>>
      %dma_start3A_378 = tpu.memref_squeeze %dma_start3A_377 : memref<1x33xf32, #tpu.memory_space<vmem>> -> memref<33xf32, #tpu.memory_space<vmem>>
      %dma_start3A_379 = arith.constant 0 : i32
      %dma_start3A_380 = tpu.memref_slice %arg4[%squeeze3A_371, %dma_start3A_379] : memref<100000x33xf32, #tpu.memory_space<hbm>> -> memref<1x33xf32, #tpu.memory_space<hbm>>
      %dma_start3A_381 = tpu.memref_squeeze %dma_start3A_380 : memref<1x33xf32, #tpu.memory_space<hbm>> -> memref<33xf32, #tpu.memory_space<hbm>>
      %dma_start3A_382 = arith.constant 0 : i32
      %dma_start3A_383 = tpu.memref_slice %arg7[%add3A_375, %dma_start3A_382] : memref<512x48xf32, #tpu.memory_space<vmem>> -> memref<1x33xf32, #tpu.memory_space<vmem>>
      %dma_start3A_384 = tpu.memref_squeeze %dma_start3A_383 : memref<1x33xf32, #tpu.memory_space<vmem>> -> memref<33xf32, #tpu.memory_space<vmem>>
      %dma_start3A_385 = arith.constant 0 : i32
      %dma_start3A_386 = tpu.memref_slice %arg4[%squeeze3A_371, %dma_start3A_385] : memref<100000x33xf32, #tpu.memory_space<hbm>> -> memref<1x33xf32, #tpu.memory_space<hbm>>
      %dma_start3A_387 = tpu.memref_squeeze %dma_start3A_386 : memref<1x33xf32, #tpu.memory_space<hbm>> -> memref<33xf32, #tpu.memory_space<hbm>>
      tpu.enqueue_dma source(%dma_start3A_387 : memref<33xf32, #tpu.memory_space<hbm>>) target(%dma_start3A_384 : memref<33xf32, #tpu.memory_space<vmem>>) target_semaphore(%arg10 : memref<!tpu.dma_semaphore, #tpu.memory_space<semaphore_mem>>)
      %slice3A_388 = vector.extract_strided_slice %get3A_154 {offsets = [13], sizes = [1], strides = [1]} : vector<16xi32> to vector<1xi32>
      %squeeze3A_389 = vector.extract %slice3A_388[0] : i32 from vector<1xi32>
      %mul3A_390 = arith.constant 16 : i32
      %mul3A_391 = arith.muli %scan3A_150, %mul3A_390 : i32
      %add3A_392 = arith.constant 13 : i32
      %add3A_393 = arith.addi %mul3A_391, %add3A_392 : i32
      %dma_start3A_394 = arith.constant 0 : i32
      %dma_start3A_395 = tpu.memref_slice %arg7[%add3A_393, %dma_start3A_394] : memref<512x48xf32, #tpu.memory_space<vmem>> -> memref<1x33xf32, #tpu.memory_space<vmem>>
      %dma_start3A_396 = tpu.memref_squeeze %dma_start3A_395 : memref<1x33xf32, #tpu.memory_space<vmem>> -> memref<33xf32, #tpu.memory_space<vmem>>
      %dma_start3A_397 = arith.constant 0 : i32
      %dma_start3A_398 = tpu.memref_slice %arg4[%squeeze3A_389, %dma_start3A_397] : memref<100000x33xf32, #tpu.memory_space<hbm>> -> memref<1x33xf32, #tpu.memory_space<hbm>>
      %dma_start3A_399 = tpu.memref_squeeze %dma_start3A_398 : memref<1x33xf32, #tpu.memory_space<hbm>> -> memref<33xf32, #tpu.memory_space<hbm>>
      %dma_start3A_400 = arith.constant 0 : i32
      %dma_start3A_401 = tpu.memref_slice %arg7[%add3A_393, %dma_start3A_400] : memref<512x48xf32, #tpu.memory_space<vmem>> -> memref<1x33xf32, #tpu.memory_space<vmem>>
      %dma_start3A_402 = tpu.memref_squeeze %dma_start3A_401 : memref<1x33xf32, #tpu.memory_space<vmem>> -> memref<33xf32, #tpu.memory_space<vmem>>
      %dma_start3A_403 = arith.constant 0 : i32
      %dma_start3A_404 = tpu.memref_slice %arg4[%squeeze3A_389, %dma_start3A_403] : memref<100000x33xf32, #tpu.memory_space<hbm>> -> memref<1x33xf32, #tpu.memory_space<hbm>>
      %dma_start3A_405 = tpu.memref_squeeze %dma_start3A_404 : memref<1x33xf32, #tpu.memory_space<hbm>> -> memref<33xf32, #tpu.memory_space<hbm>>
      tpu.enqueue_dma source(%dma_start3A_405 : memref<33xf32, #tpu.memory_space<hbm>>) target(%dma_start3A_402 : memref<33xf32, #tpu.memory_space<vmem>>) target_semaphore(%arg10 : memref<!tpu.dma_semaphore, #tpu.memory_space<semaphore_mem>>)
      %slice3A_406 = vector.extract_strided_slice %get3A_154 {offsets = [14], sizes = [1], strides = [1]} : vector<16xi32> to vector<1xi32>
      %squeeze3A_407 = vector.extract %slice3A_406[0] : i32 from vector<1xi32>
      %mul3A_408 = arith.constant 16 : i32
      %mul3A_409 = arith.muli %scan3A_150, %mul3A_408 : i32
      %add3A_410 = arith.constant 14 : i32
      %add3A_411 = arith.addi %mul3A_409, %add3A_410 : i32
      %dma_start3A_412 = arith.constant 0 : i32
      %dma_start3A_413 = tpu.memref_slice %arg7[%add3A_411, %dma_start3A_412] : memref<512x48xf32, #tpu.memory_space<vmem>> -> memref<1x33xf32, #tpu.memory_space<vmem>>
      %dma_start3A_414 = tpu.memref_squeeze %dma_start3A_413 : memref<1x33xf32, #tpu.memory_space<vmem>> -> memref<33xf32, #tpu.memory_space<vmem>>
      %dma_start3A_415 = arith.constant 0 : i32
      %dma_start3A_416 = tpu.memref_slice %arg4[%squeeze3A_407, %dma_start3A_415] : memref<100000x33xf32, #tpu.memory_space<hbm>> -> memref<1x33xf32, #tpu.memory_space<hbm>>
      %dma_start3A_417 = tpu.memref_squeeze %dma_start3A_416 : memref<1x33xf32, #tpu.memory_space<hbm>> -> memref<33xf32, #tpu.memory_space<hbm>>
      %dma_start3A_418 = arith.constant 0 : i32
      %dma_start3A_419 = tpu.memref_slice %arg7[%add3A_411, %dma_start3A_418] : memref<512x48xf32, #tpu.memory_space<vmem>> -> memref<1x33xf32, #tpu.memory_space<vmem>>
      %dma_start3A_420 = tpu.memref_squeeze %dma_start3A_419 : memref<1x33xf32, #tpu.memory_space<vmem>> -> memref<33xf32, #tpu.memory_space<vmem>>
      %dma_start3A_421 = arith.constant 0 : i32
      %dma_start3A_422 = tpu.memref_slice %arg4[%squeeze3A_407, %dma_start3A_421] : memref<100000x33xf32, #tpu.memory_space<hbm>> -> memref<1x33xf32, #tpu.memory_space<hbm>>
      %dma_start3A_423 = tpu.memref_squeeze %dma_start3A_422 : memref<1x33xf32, #tpu.memory_space<hbm>> -> memref<33xf32, #tpu.memory_space<hbm>>
      tpu.enqueue_dma source(%dma_start3A_423 : memref<33xf32, #tpu.memory_space<hbm>>) target(%dma_start3A_420 : memref<33xf32, #tpu.memory_space<vmem>>) target_semaphore(%arg10 : memref<!tpu.dma_semaphore, #tpu.memory_space<semaphore_mem>>)
      %slice3A_424 = vector.extract_strided_slice %get3A_154 {offsets = [15], sizes = [1], strides = [1]} : vector<16xi32> to vector<1xi32>
      %squeeze3A_425 = vector.extract %slice3A_424[0] : i32 from vector<1xi32>
      %mul3A_426 = arith.constant 16 : i32
      %mul3A_427 = arith.muli %scan3A_150, %mul3A_426 : i32
      %add3A_428 = arith.constant 15 : i32
      %add3A_429 = arith.addi %mul3A_427, %add3A_428 : i32
      %dma_start3A_430 = arith.constant 0 : i32
      %dma_start3A_431 = tpu.memref_slice %arg7[%add3A_429, %dma_start3A_430] : memref<512x48xf32, #tpu.memory_space<vmem>> -> memref<1x33xf32, #tpu.memory_space<vmem>>
      %dma_start3A_432 = tpu.memref_squeeze %dma_start3A_431 : memref<1x33xf32, #tpu.memory_space<vmem>> -> memref<33xf32, #tpu.memory_space<vmem>>
      %dma_start3A_433 = arith.constant 0 : i32
      %dma_start3A_434 = tpu.memref_slice %arg4[%squeeze3A_425, %dma_start3A_433] : memref<100000x33xf32, #tpu.memory_space<hbm>> -> memref<1x33xf32, #tpu.memory_space<hbm>>
      %dma_start3A_435 = tpu.memref_squeeze %dma_start3A_434 : memref<1x33xf32, #tpu.memory_space<hbm>> -> memref<33xf32, #tpu.memory_space<hbm>>
      %dma_start3A_436 = arith.constant 0 : i32
      %dma_start3A_437 = tpu.memref_slice %arg7[%add3A_429, %dma_start3A_436] : memref<512x48xf32, #tpu.memory_space<vmem>> -> memref<1x33xf32, #tpu.memory_space<vmem>>
      %dma_start3A_438 = tpu.memref_squeeze %dma_start3A_437 : memref<1x33xf32, #tpu.memory_space<vmem>> -> memref<33xf32, #tpu.memory_space<vmem>>
      %dma_start3A_439 = arith.constant 0 : i32
      %dma_start3A_440 = tpu.memref_slice %arg4[%squeeze3A_425, %dma_start3A_439] : memref<100000x33xf32, #tpu.memory_space<hbm>> -> memref<1x33xf32, #tpu.memory_space<hbm>>
      %dma_start3A_441 = tpu.memref_squeeze %dma_start3A_440 : memref<1x33xf32, #tpu.memory_space<hbm>> -> memref<33xf32, #tpu.memory_space<hbm>>
      tpu.enqueue_dma source(%dma_start3A_441 : memref<33xf32, #tpu.memory_space<hbm>>) target(%dma_start3A_438 : memref<33xf32, #tpu.memory_space<vmem>>) target_semaphore(%arg10 : memref<!tpu.dma_semaphore, #tpu.memory_space<semaphore_mem>>)
    }
    %scan3A_7 = arith.constant 32 : i32
    %get3A = arith.constant 0 : index
    %get3A_8 = tpu.vector_load %arg9[%get3A] {strides = array<i32>} : memref<48xf32, #tpu.memory_space<vmem>>, vector<16xf32>,
    %get3A_9 = arith.constant 16 : index
    %get3A_10 = tpu.vector_load %arg9[%get3A_9] {strides = array<i32>} : memref<48xf32, #tpu.memory_space<vmem>>, vector<16xf32>,
    %get3A_11 = arith.constant 32 : index
    %get3A_12 = tpu.vector_load %arg9[%get3A_11] {strides = array<i32>} : memref<48xf32, #tpu.memory_space<vmem>>, vector<16xf32>,
    %slice3A = vector.extract_strided_slice %get3A_8 {offsets = [0], sizes = [1], strides = [1]} : vector<16xf32> to vector<1xf32>
    %squeeze3A = vector.extract %slice3A[0] : f32 from vector<1xf32>
    %slice3A_13 = vector.extract_strided_slice %get3A_8 {offsets = [1], sizes = [1], strides = [1]} : vector<16xf32> to vector<1xf32>
    %squeeze3A_14 = vector.extract %slice3A_13[0] : f32 from vector<1xf32>
    %slice3A_15 = vector.extract_strided_slice %get3A_8 {offsets = [2], sizes = [1], strides = [1]} : vector<16xf32> to vector<1xf32>
    %squeeze3A_16 = vector.extract %slice3A_15[0] : f32 from vector<1xf32>
    %slice3A_17 = vector.extract_strided_slice %get3A_8 {offsets = [3], sizes = [1], strides = [1]} : vector<16xf32> to vector<1xf32>
    %squeeze3A_18 = vector.extract %slice3A_17[0] : f32 from vector<1xf32>
    %slice3A_19 = vector.extract_strided_slice %get3A_8 {offsets = [4], sizes = [1], strides = [1]} : vector<16xf32> to vector<1xf32>
    %squeeze3A_20 = vector.extract %slice3A_19[0] : f32 from vector<1xf32>
    %slice3A_21 = vector.extract_strided_slice %get3A_8 {offsets = [5], sizes = [1], strides = [1]} : vector<16xf32> to vector<1xf32>
    %squeeze3A_22 = vector.extract %slice3A_21[0] : f32 from vector<1xf32>
    %slice3A_23 = vector.extract_strided_slice %get3A_8 {offsets = [6], sizes = [1], strides = [1]} : vector<16xf32> to vector<1xf32>
    %squeeze3A_24 = vector.extract %slice3A_23[0] : f32 from vector<1xf32>
    %slice3A_25 = vector.extract_strided_slice %get3A_8 {offsets = [7], sizes = [1], strides = [1]} : vector<16xf32> to vector<1xf32>
    %squeeze3A_26 = vector.extract %slice3A_25[0] : f32 from vector<1xf32>
    %slice3A_27 = vector.extract_strided_slice %get3A_8 {offsets = [8], sizes = [1], strides = [1]} : vector<16xf32> to vector<1xf32>
    %squeeze3A_28 = vector.extract %slice3A_27[0] : f32 from vector<1xf32>
    %slice3A_29 = vector.extract_strided_slice %get3A_8 {offsets = [9], sizes = [1], strides = [1]} : vector<16xf32> to vector<1xf32>
    %squeeze3A_30 = vector.extract %slice3A_29[0] : f32 from vector<1xf32>
    %slice3A_31 = vector.extract_strided_slice %get3A_8 {offsets = [10], sizes = [1], strides = [1]} : vector<16xf32> to vector<1xf32>
    %squeeze3A_32 = vector.extract %slice3A_31[0] : f32 from vector<1xf32>
    %slice3A_33 = vector.extract_strided_slice %get3A_8 {offsets = [11], sizes = [1], strides = [1]} : vector<16xf32> to vector<1xf32>
    %squeeze3A_34 = vector.extract %slice3A_33[0] : f32 from vector<1xf32>
    %slice3A_35 = vector.extract_strided_slice %get3A_8 {offsets = [12], sizes = [1], strides = [1]} : vector<16xf32> to vector<1xf32>
    %squeeze3A_36 = vector.extract %slice3A_35[0] : f32 from vector<1xf32>
    %slice3A_37 = vector.extract_strided_slice %get3A_8 {offsets = [13], sizes = [1], strides = [1]} : vector<16xf32> to vector<1xf32>
    %squeeze3A_38 = vector.extract %slice3A_37[0] : f32 from vector<1xf32>
    %slice3A_39 = vector.extract_strided_slice %get3A_8 {offsets = [14], sizes = [1], strides = [1]} : vector<16xf32> to vector<1xf32>
    %squeeze3A_40 = vector.extract %slice3A_39[0] : f32 from vector<1xf32>
    %slice3A_41 = vector.extract_strided_slice %get3A_8 {offsets = [15], sizes = [1], strides = [1]} : vector<16xf32> to vector<1xf32>
    %squeeze3A_42 = vector.extract %slice3A_41[0] : f32 from vector<1xf32>
    %slice3A_43 = vector.extract_strided_slice %get3A_10 {offsets = [0], sizes = [1], strides = [1]} : vector<16xf32> to vector<1xf32>
    %squeeze3A_44 = vector.extract %slice3A_43[0] : f32 from vector<1xf32>
    %slice3A_45 = vector.extract_strided_slice %get3A_10 {offsets = [1], sizes = [1], strides = [1]} : vector<16xf32> to vector<1xf32>
    %squeeze3A_46 = vector.extract %slice3A_45[0] : f32 from vector<1xf32>
    %slice3A_47 = vector.extract_strided_slice %get3A_10 {offsets = [2], sizes = [1], strides = [1]} : vector<16xf32> to vector<1xf32>
    %squeeze3A_48 = vector.extract %slice3A_47[0] : f32 from vector<1xf32>
    %slice3A_49 = vector.extract_strided_slice %get3A_10 {offsets = [3], sizes = [1], strides = [1]} : vector<16xf32> to vector<1xf32>
    %squeeze3A_50 = vector.extract %slice3A_49[0] : f32 from vector<1xf32>
    %slice3A_51 = vector.extract_strided_slice %get3A_10 {offsets = [4], sizes = [1], strides = [1]} : vector<16xf32> to vector<1xf32>
    %squeeze3A_52 = vector.extract %slice3A_51[0] : f32 from vector<1xf32>
    %slice3A_53 = vector.extract_strided_slice %get3A_10 {offsets = [5], sizes = [1], strides = [1]} : vector<16xf32> to vector<1xf32>
    %squeeze3A_54 = vector.extract %slice3A_53[0] : f32 from vector<1xf32>
    %slice3A_55 = vector.extract_strided_slice %get3A_10 {offsets = [6], sizes = [1], strides = [1]} : vector<16xf32> to vector<1xf32>
    %squeeze3A_56 = vector.extract %slice3A_55[0] : f32 from vector<1xf32>
    %slice3A_57 = vector.extract_strided_slice %get3A_10 {offsets = [7], sizes = [1], strides = [1]} : vector<16xf32> to vector<1xf32>
    %squeeze3A_58 = vector.extract %slice3A_57[0] : f32 from vector<1xf32>
    %slice3A_59 = vector.extract_strided_slice %get3A_10 {offsets = [8], sizes = [1], strides = [1]} : vector<16xf32> to vector<1xf32>
    %squeeze3A_60 = vector.extract %slice3A_59[0] : f32 from vector<1xf32>
    %slice3A_61 = vector.extract_strided_slice %get3A_10 {offsets = [9], sizes = [1], strides = [1]} : vector<16xf32> to vector<1xf32>
    %squeeze3A_62 = vector.extract %slice3A_61[0] : f32 from vector<1xf32>
    %slice3A_63 = vector.extract_strided_slice %get3A_10 {offsets = [10], sizes = [1], strides = [1]} : vector<16xf32> to vector<1xf32>
    %squeeze3A_64 = vector.extract %slice3A_63[0] : f32 from vector<1xf32>
    %slice3A_65 = vector.extract_strided_slice %get3A_10 {offsets = [11], sizes = [1], strides = [1]} : vector<16xf32> to vector<1xf32>
    %squeeze3A_66 = vector.extract %slice3A_65[0] : f32 from vector<1xf32>
    %slice3A_67 = vector.extract_strided_slice %get3A_10 {offsets = [12], sizes = [1], strides = [1]} : vector<16xf32> to vector<1xf32>
    %squeeze3A_68 = vector.extract %slice3A_67[0] : f32 from vector<1xf32>
    %slice3A_69 = vector.extract_strided_slice %get3A_10 {offsets = [13], sizes = [1], strides = [1]} : vector<16xf32> to vector<1xf32>
    %squeeze3A_70 = vector.extract %slice3A_69[0] : f32 from vector<1xf32>
    %slice3A_71 = vector.extract_strided_slice %get3A_10 {offsets = [14], sizes = [1], strides = [1]} : vector<16xf32> to vector<1xf32>
    %squeeze3A_72 = vector.extract %slice3A_71[0] : f32 from vector<1xf32>
    %slice3A_73 = vector.extract_strided_slice %get3A_10 {offsets = [15], sizes = [1], strides = [1]} : vector<16xf32> to vector<1xf32>
    %squeeze3A_74 = vector.extract %slice3A_73[0] : f32 from vector<1xf32>
    %slice3A_75 = vector.extract_strided_slice %get3A_12 {offsets = [0], sizes = [1], strides = [1]} : vector<16xf32> to vector<1xf32>
    %squeeze3A_76 = vector.extract %slice3A_75[0] : f32 from vector<1xf32>
    %broadcast_in_dim3A = arith.constant 0 : i32
    %broadcast_in_dim3A_77 = vector.broadcast %broadcast_in_dim3A : i32 to vector<16xi32>
    %broadcast_in_dim3A_78 = arith.constant 1 : i32
    %broadcast_in_dim3A_79 = vector.broadcast %broadcast_in_dim3A_78 : i32 to vector<16xi32>
    %broadcast_in_dim3A_80 = arith.constant 2 : i32
    %broadcast_in_dim3A_81 = vector.broadcast %broadcast_in_dim3A_80 : i32 to vector<16xi32>
    %broadcast_in_dim3A_82 = arith.constant 3 : i32
    %broadcast_in_dim3A_83 = vector.broadcast %broadcast_in_dim3A_82 : i32 to vector<16xi32>
    %broadcast_in_dim3A_84 = arith.constant 4 : i32
    %broadcast_in_dim3A_85 = vector.broadcast %broadcast_in_dim3A_84 : i32 to vector<16xi32>
    %broadcast_in_dim3A_86 = arith.constant 5 : i32
    %broadcast_in_dim3A_87 = vector.broadcast %broadcast_in_dim3A_86 : i32 to vector<16xi32>
    %broadcast_in_dim3A_88 = arith.constant 6 : i32
    %broadcast_in_dim3A_89 = vector.broadcast %broadcast_in_dim3A_88 : i32 to vector<16xi32>
    %broadcast_in_dim3A_90 = arith.constant 7 : i32
    %broadcast_in_dim3A_91 = vector.broadcast %broadcast_in_dim3A_90 : i32 to vector<16xi32>
    %broadcast_in_dim3A_92 = arith.constant 8 : i32
    %broadcast_in_dim3A_93 = vector.broadcast %broadcast_in_dim3A_92 : i32 to vector<16xi32>
    %broadcast_in_dim3A_94 = arith.constant 9 : i32
    %broadcast_in_dim3A_95 = vector.broadcast %broadcast_in_dim3A_94 : i32 to vector<16xi32>
    %broadcast_in_dim3A_96 = arith.constant 10 : i32
    %broadcast_in_dim3A_97 = vector.broadcast %broadcast_in_dim3A_96 : i32 to vector<16xi32>
    %broadcast_in_dim3A_98 = arith.constant 11 : i32
    %broadcast_in_dim3A_99 = vector.broadcast %broadcast_in_dim3A_98 : i32 to vector<16xi32>
    %broadcast_in_dim3A_100 = arith.constant 12 : i32
    %broadcast_in_dim3A_101 = vector.broadcast %broadcast_in_dim3A_100 : i32 to vector<16xi32>
    %broadcast_in_dim3A_102 = arith.constant 13 : i32
    %broadcast_in_dim3A_103 = vector.broadcast %broadcast_in_dim3A_102 : i32 to vector<16xi32>
    %broadcast_in_dim3A_104 = arith.constant 14 : i32
    %broadcast_in_dim3A_105 = vector.broadcast %broadcast_in_dim3A_104 : i32 to vector<16xi32>
    %broadcast_in_dim3A_106 = arith.constant 15 : i32
    %broadcast_in_dim3A_107 = vector.broadcast %broadcast_in_dim3A_106 : i32 to vector<16xi32>
    %broadcast_in_dim3A_108 = arith.constant 16 : i32
    %broadcast_in_dim3A_109 = vector.broadcast %broadcast_in_dim3A_108 : i32 to vector<16xi32>
    %broadcast_in_dim3A_110 = arith.constant 17 : i32
    %broadcast_in_dim3A_111 = vector.broadcast %broadcast_in_dim3A_110 : i32 to vector<16xi32>
    %broadcast_in_dim3A_112 = arith.constant 18 : i32
    %broadcast_in_dim3A_113 = vector.broadcast %broadcast_in_dim3A_112 : i32 to vector<16xi32>
    %broadcast_in_dim3A_114 = arith.constant 19 : i32
    %broadcast_in_dim3A_115 = vector.broadcast %broadcast_in_dim3A_114 : i32 to vector<16xi32>
    %broadcast_in_dim3A_116 = arith.constant 20 : i32
    %broadcast_in_dim3A_117 = vector.broadcast %broadcast_in_dim3A_116 : i32 to vector<16xi32>
    %broadcast_in_dim3A_118 = arith.constant 21 : i32
    %broadcast_in_dim3A_119 = vector.broadcast %broadcast_in_dim3A_118 : i32 to vector<16xi32>
    %broadcast_in_dim3A_120 = arith.constant 22 : i32
    %broadcast_in_dim3A_121 = vector.broadcast %broadcast_in_dim3A_120 : i32 to vector<16xi32>
    %broadcast_in_dim3A_122 = arith.constant 23 : i32
    %broadcast_in_dim3A_123 = vector.broadcast %broadcast_in_dim3A_122 : i32 to vector<16xi32>
    %broadcast_in_dim3A_124 = arith.constant 24 : i32
    %broadcast_in_dim3A_125 = vector.broadcast %broadcast_in_dim3A_124 : i32 to vector<16xi32>
    %broadcast_in_dim3A_126 = arith.constant 25 : i32
    %broadcast_in_dim3A_127 = vector.broadcast %broadcast_in_dim3A_126 : i32 to vector<16xi32>
    %broadcast_in_dim3A_128 = arith.constant 26 : i32
    %broadcast_in_dim3A_129 = vector.broadcast %broadcast_in_dim3A_128 : i32 to vector<16xi32>
    %broadcast_in_dim3A_130 = arith.constant 27 : i32
    %broadcast_in_dim3A_131 = vector.broadcast %broadcast_in_dim3A_130 : i32 to vector<16xi32>
    %broadcast_in_dim3A_132 = arith.constant 28 : i32
    %broadcast_in_dim3A_133 = vector.broadcast %broadcast_in_dim3A_132 : i32 to vector<16xi32>
    %broadcast_in_dim3A_134 = arith.constant 29 : i32
    %broadcast_in_dim3A_135 = vector.broadcast %broadcast_in_dim3A_134 : i32 to vector<16xi32>
    %broadcast_in_dim3A_136 = arith.constant 30 : i32
    %broadcast_in_dim3A_137 = vector.broadcast %broadcast_in_dim3A_136 : i32 to vector<16xi32>
    %broadcast_in_dim3A_138 = arith.constant 31 : i32
    %broadcast_in_dim3A_139 = vector.broadcast %broadcast_in_dim3A_138 : i32 to vector<16xi32>
    %broadcast_in_dim3A_140 = arith.constant 32 : i32
    %broadcast_in_dim3A_141 = vector.broadcast %broadcast_in_dim3A_140 : i32 to vector<16xi32>
    %scan3A_142 = arith.constant 0 : i32
    %scan3A_143 = arith.constant 0 : i32
    %scan3A_144 = arith.constant 64 : i32
    %scan3A_145 = arith.addi %scan3A_143, %scan3A_144 : i32
    %scan3A_146 = arith.constant 1 : i32
    scf.for %scan3A_150 = %scan3A_143 to %scan3A_145 step %scan3A_146  : i32 {
      %dma_wait3A = arith.constant 0 : i32
      %dma_wait3A_151 = arith.constant 0 : i32
      %dma_wait3A_152 = arith.constant 0 : i32
      %dma_wait3A_153 = tpu.memref_slice %arg7[%dma_wait3A_151, %dma_wait3A_152] : memref<512x48xf32, #tpu.memory_space<vmem>> -> memref<1x33xf32, #tpu.memory_space<vmem>>
      %dma_wait3A_154 = tpu.memref_squeeze %dma_wait3A_153 : memref<1x33xf32, #tpu.memory_space<vmem>> -> memref<33xf32, #tpu.memory_space<vmem>>
      %dma_wait3A_155 = arith.constant 0 : i32
      %dma_wait3A_156 = tpu.memref_slice %arg4[%dma_wait3A, %dma_wait3A_155] : memref<100000x33xf32, #tpu.memory_space<hbm>> -> memref<1x33xf32, #tpu.memory_space<hbm>>
      %dma_wait3A_157 = tpu.memref_squeeze %dma_wait3A_156 : memref<1x33xf32, #tpu.memory_space<hbm>> -> memref<33xf32, #tpu.memory_space<hbm>>
      %dma_wait3A_158 = arith.constant 0 : i32
      %dma_wait3A_159 = tpu.memref_slice %arg7[%dma_wait3A_151, %dma_wait3A_158] : memref<512x48xf32, #tpu.memory_space<vmem>> -> memref<1x33xf32, #tpu.memory_space<vmem>>
      %dma_wait3A_160 = tpu.memref_squeeze %dma_wait3A_159 : memref<1x33xf32, #tpu.memory_space<vmem>> -> memref<33xf32, #tpu.memory_space<vmem>>
      %dma_wait3A_161 = arith.constant 0 : i32
      %dma_wait3A_162 = tpu.memref_slice %arg4[%dma_wait3A, %dma_wait3A_161] : memref<100000x33xf32, #tpu.memory_space<hbm>> -> memref<1x33xf32, #tpu.memory_space<hbm>>
      %dma_wait3A_163 = tpu.memref_squeeze %dma_wait3A_162 : memref<1x33xf32, #tpu.memory_space<hbm>> -> memref<33xf32, #tpu.memory_space<hbm>>
      tpu.wait_dma2 semaphore(%arg10 : memref<!tpu.dma_semaphore, #tpu.memory_space<semaphore_mem>>) src(%dma_wait3A_163 : memref<33xf32, #tpu.memory_space<hbm>>) dst(%dma_wait3A_160 : memref<33xf32, #tpu.memory_space<vmem>>)
      %dma_wait3A_164 = arith.constant 0 : i32
      %dma_wait3A_165 = arith.constant 0 : i32
      %dma_wait3A_166 = arith.constant 0 : i32
      %dma_wait3A_167 = tpu.memref_slice %arg7[%dma_wait3A_165, %dma_wait3A_166] : memref<512x48xf32, #tpu.memory_space<vmem>> -> memref<1x33xf32, #tpu.memory_space<vmem>>
      %dma_wait3A_168 = tpu.memref_squeeze %dma_wait3A_167 : memref<1x33xf32, #tpu.memory_space<vmem>> -> memref<33xf32, #tpu.memory_space<vmem>>
      %dma_wait3A_169 = arith.constant 0 : i32
      %dma_wait3A_170 = tpu.memref_slice %arg4[%dma_wait3A_164, %dma_wait3A_169] : memref<100000x33xf32, #tpu.memory_space<hbm>> -> memref<1x33xf32, #tpu.memory_space<hbm>>
      %dma_wait3A_171 = tpu.memref_squeeze %dma_wait3A_170 : memref<1x33xf32, #tpu.memory_space<hbm>> -> memref<33xf32, #tpu.memory_space<hbm>>
      %dma_wait3A_172 = arith.constant 0 : i32
      %dma_wait3A_173 = tpu.memref_slice %arg7[%dma_wait3A_165, %dma_wait3A_172] : memref<512x48xf32, #tpu.memory_space<vmem>> -> memref<1x33xf32, #tpu.memory_space<vmem>>
      %dma_wait3A_174 = tpu.memref_squeeze %dma_wait3A_173 : memref<1x33xf32, #tpu.memory_space<vmem>> -> memref<33xf32, #tpu.memory_space<vmem>>
      %dma_wait3A_175 = arith.constant 0 : i32
      %dma_wait3A_176 = tpu.memref_slice %arg4[%dma_wait3A_164, %dma_wait3A_175] : memref<100000x33xf32, #tpu.memory_space<hbm>> -> memref<1x33xf32, #tpu.memory_space<hbm>>
      %dma_wait3A_177 = tpu.memref_squeeze %dma_wait3A_176 : memref<1x33xf32, #tpu.memory_space<hbm>> -> memref<33xf32, #tpu.memory_space<hbm>>
      tpu.wait_dma2 semaphore(%arg10 : memref<!tpu.dma_semaphore, #tpu.memory_space<semaphore_mem>>) src(%dma_wait3A_177 : memref<33xf32, #tpu.memory_space<hbm>>) dst(%dma_wait3A_174 : memref<33xf32, #tpu.memory_space<vmem>>)
      %dma_wait3A_178 = arith.constant 0 : i32
      %dma_wait3A_179 = arith.constant 0 : i32
      %dma_wait3A_180 = arith.constant 0 : i32
      %dma_wait3A_181 = tpu.memref_slice %arg7[%dma_wait3A_179, %dma_wait3A_180] : memref<512x48xf32, #tpu.memory_space<vmem>> -> memref<1x33xf32, #tpu.memory_space<vmem>>
      %dma_wait3A_182 = tpu.memref_squeeze %dma_wait3A_181 : memref<1x33xf32, #tpu.memory_space<vmem>> -> memref<33xf32, #tpu.memory_space<vmem>>
      %dma_wait3A_183 = arith.constant 0 : i32
      %dma_wait3A_184 = tpu.memref_slice %arg4[%dma_wait3A_178, %dma_wait3A_183] : memref<100000x33xf32, #tpu.memory_space<hbm>> -> memref<1x33xf32, #tpu.memory_space<hbm>>
      %dma_wait3A_185 = tpu.memref_squeeze %dma_wait3A_184 : memref<1x33xf32, #tpu.memory_space<hbm>> -> memref<33xf32, #tpu.memory_space<hbm>>
      %dma_wait3A_186 = arith.constant 0 : i32
      %dma_wait3A_187 = tpu.memref_slice %arg7[%dma_wait3A_179, %dma_wait3A_186] : memref<512x48xf32, #tpu.memory_space<vmem>> -> memref<1x33xf32, #tpu.memory_space<vmem>>
      %dma_wait3A_188 = tpu.memref_squeeze %dma_wait3A_187 : memref<1x33xf32, #tpu.memory_space<vmem>> -> memref<33xf32, #tpu.memory_space<vmem>>
      %dma_wait3A_189 = arith.constant 0 : i32
      %dma_wait3A_190 = tpu.memref_slice %arg4[%dma_wait3A_178, %dma_wait3A_189] : memref<100000x33xf32, #tpu.memory_space<hbm>> -> memref<1x33xf32, #tpu.memory_space<hbm>>
      %dma_wait3A_191 = tpu.memref_squeeze %dma_wait3A_190 : memref<1x33xf32, #tpu.memory_space<hbm>> -> memref<33xf32, #tpu.memory_space<hbm>>
      tpu.wait_dma2 semaphore(%arg10 : memref<!tpu.dma_semaphore, #tpu.memory_space<semaphore_mem>>) src(%dma_wait3A_191 : memref<33xf32, #tpu.memory_space<hbm>>) dst(%dma_wait3A_188 : memref<33xf32, #tpu.memory_space<vmem>>)
      %dma_wait3A_192 = arith.constant 0 : i32
      %dma_wait3A_193 = arith.constant 0 : i32
      %dma_wait3A_194 = arith.constant 0 : i32
      %dma_wait3A_195 = tpu.memref_slice %arg7[%dma_wait3A_193, %dma_wait3A_194] : memref<512x48xf32, #tpu.memory_space<vmem>> -> memref<1x33xf32, #tpu.memory_space<vmem>>
      %dma_wait3A_196 = tpu.memref_squeeze %dma_wait3A_195 : memref<1x33xf32, #tpu.memory_space<vmem>> -> memref<33xf32, #tpu.memory_space<vmem>>
      %dma_wait3A_197 = arith.constant 0 : i32
      %dma_wait3A_198 = tpu.memref_slice %arg4[%dma_wait3A_192, %dma_wait3A_197] : memref<100000x33xf32, #tpu.memory_space<hbm>> -> memref<1x33xf32, #tpu.memory_space<hbm>>
      %dma_wait3A_199 = tpu.memref_squeeze %dma_wait3A_198 : memref<1x33xf32, #tpu.memory_space<hbm>> -> memref<33xf32, #tpu.memory_space<hbm>>
      %dma_wait3A_200 = arith.constant 0 : i32
      %dma_wait3A_201 = tpu.memref_slice %arg7[%dma_wait3A_193, %dma_wait3A_200] : memref<512x48xf32, #tpu.memory_space<vmem>> -> memref<1x33xf32, #tpu.memory_space<vmem>>
      %dma_wait3A_202 = tpu.memref_squeeze %dma_wait3A_201 : memref<1x33xf32, #tpu.memory_space<vmem>> -> memref<33xf32, #tpu.memory_space<vmem>>
      %dma_wait3A_203 = arith.constant 0 : i32
      %dma_wait3A_204 = tpu.memref_slice %arg4[%dma_wait3A_192, %dma_wait3A_203] : memref<100000x33xf32, #tpu.memory_space<hbm>> -> memref<1x33xf32, #tpu.memory_space<hbm>>
      %dma_wait3A_205 = tpu.memref_squeeze %dma_wait3A_204 : memref<1x33xf32, #tpu.memory_space<hbm>> -> memref<33xf32, #tpu.memory_space<hbm>>
      tpu.wait_dma2 semaphore(%arg10 : memref<!tpu.dma_semaphore, #tpu.memory_space<semaphore_mem>>) src(%dma_wait3A_205 : memref<33xf32, #tpu.memory_space<hbm>>) dst(%dma_wait3A_202 : memref<33xf32, #tpu.memory_space<vmem>>)
      %dma_wait3A_206 = arith.constant 0 : i32
      %dma_wait3A_207 = arith.constant 0 : i32
      %dma_wait3A_208 = arith.constant 0 : i32
      %dma_wait3A_209 = tpu.memref_slice %arg7[%dma_wait3A_207, %dma_wait3A_208] : memref<512x48xf32, #tpu.memory_space<vmem>> -> memref<1x33xf32, #tpu.memory_space<vmem>>
      %dma_wait3A_210 = tpu.memref_squeeze %dma_wait3A_209 : memref<1x33xf32, #tpu.memory_space<vmem>> -> memref<33xf32, #tpu.memory_space<vmem>>
      %dma_wait3A_211 = arith.constant 0 : i32
      %dma_wait3A_212 = tpu.memref_slice %arg4[%dma_wait3A_206, %dma_wait3A_211] : memref<100000x33xf32, #tpu.memory_space<hbm>> -> memref<1x33xf32, #tpu.memory_space<hbm>>
      %dma_wait3A_213 = tpu.memref_squeeze %dma_wait3A_212 : memref<1x33xf32, #tpu.memory_space<hbm>> -> memref<33xf32, #tpu.memory_space<hbm>>
      %dma_wait3A_214 = arith.constant 0 : i32
      %dma_wait3A_215 = tpu.memref_slice %arg7[%dma_wait3A_207, %dma_wait3A_214] : memref<512x48xf32, #tpu.memory_space<vmem>> -> memref<1x33xf32, #tpu.memory_space<vmem>>
      %dma_wait3A_216 = tpu.memref_squeeze %dma_wait3A_215 : memref<1x33xf32, #tpu.memory_space<vmem>> -> memref<33xf32, #tpu.memory_space<vmem>>
      %dma_wait3A_217 = arith.constant 0 : i32
      %dma_wait3A_218 = tpu.memref_slice %arg4[%dma_wait3A_206, %dma_wait3A_217] : memref<100000x33xf32, #tpu.memory_space<hbm>> -> memref<1x33xf32, #tpu.memory_space<hbm>>
      %dma_wait3A_219 = tpu.memref_squeeze %dma_wait3A_218 : memref<1x33xf32, #tpu.memory_space<hbm>> -> memref<33xf32, #tpu.memory_space<hbm>>
      tpu.wait_dma2 semaphore(%arg10 : memref<!tpu.dma_semaphore, #tpu.memory_space<semaphore_mem>>) src(%dma_wait3A_219 : memref<33xf32, #tpu.memory_space<hbm>>) dst(%dma_wait3A_216 : memref<33xf32, #tpu.memory_space<vmem>>)
      %dma_wait3A_220 = arith.constant 0 : i32
      %dma_wait3A_221 = arith.constant 0 : i32
      %dma_wait3A_222 = arith.constant 0 : i32
      %dma_wait3A_223 = tpu.memref_slice %arg7[%dma_wait3A_221, %dma_wait3A_222] : memref<512x48xf32, #tpu.memory_space<vmem>> -> memref<1x33xf32, #tpu.memory_space<vmem>>
      %dma_wait3A_224 = tpu.memref_squeeze %dma_wait3A_223 : memref<1x33xf32, #tpu.memory_space<vmem>> -> memref<33xf32, #tpu.memory_space<vmem>>
      %dma_wait3A_225 = arith.constant 0 : i32
      %dma_wait3A_226 = tpu.memref_slice %arg4[%dma_wait3A_220, %dma_wait3A_225] : memref<100000x33xf32, #tpu.memory_space<hbm>> -> memref<1x33xf32, #tpu.memory_space<hbm>>
      %dma_wait3A_227 = tpu.memref_squeeze %dma_wait3A_226 : memref<1x33xf32, #tpu.memory_space<hbm>> -> memref<33xf32, #tpu.memory_space<hbm>>
      %dma_wait3A_228 = arith.constant 0 : i32
      %dma_wait3A_229 = tpu.memref_slice %arg7[%dma_wait3A_221, %dma_wait3A_228] : memref<512x48xf32, #tpu.memory_space<vmem>> -> memref<1x33xf32, #tpu.memory_space<vmem>>
      %dma_wait3A_230 = tpu.memref_squeeze %dma_wait3A_229 : memref<1x33xf32, #tpu.memory_space<vmem>> -> memref<33xf32, #tpu.memory_space<vmem>>
      %dma_wait3A_231 = arith.constant 0 : i32
      %dma_wait3A_232 = tpu.memref_slice %arg4[%dma_wait3A_220, %dma_wait3A_231] : memref<100000x33xf32, #tpu.memory_space<hbm>> -> memref<1x33xf32, #tpu.memory_space<hbm>>
      %dma_wait3A_233 = tpu.memref_squeeze %dma_wait3A_232 : memref<1x33xf32, #tpu.memory_space<hbm>> -> memref<33xf32, #tpu.memory_space<hbm>>
      tpu.wait_dma2 semaphore(%arg10 : memref<!tpu.dma_semaphore, #tpu.memory_space<semaphore_mem>>) src(%dma_wait3A_233 : memref<33xf32, #tpu.memory_space<hbm>>) dst(%dma_wait3A_230 : memref<33xf32, #tpu.memory_space<vmem>>)
      %dma_wait3A_234 = arith.constant 0 : i32
      %dma_wait3A_235 = arith.constant 0 : i32
      %dma_wait3A_236 = arith.constant 0 : i32
      %dma_wait3A_237 = tpu.memref_slice %arg7[%dma_wait3A_235, %dma_wait3A_236] : memref<512x48xf32, #tpu.memory_space<vmem>> -> memref<1x33xf32, #tpu.memory_space<vmem>>
      %dma_wait3A_238 = tpu.memref_squeeze %dma_wait3A_237 : memref<1x33xf32, #tpu.memory_space<vmem>> -> memref<33xf32, #tpu.memory_space<vmem>>
      %dma_wait3A_239 = arith.constant 0 : i32
      %dma_wait3A_240 = tpu.memref_slice %arg4[%dma_wait3A_234, %dma_wait3A_239] : memref<100000x33xf32, #tpu.memory_space<hbm>> -> memref<1x33xf32, #tpu.memory_space<hbm>>
      %dma_wait3A_241 = tpu.memref_squeeze %dma_wait3A_240 : memref<1x33xf32, #tpu.memory_space<hbm>> -> memref<33xf32, #tpu.memory_space<hbm>>
      %dma_wait3A_242 = arith.constant 0 : i32
      %dma_wait3A_243 = tpu.memref_slice %arg7[%dma_wait3A_235, %dma_wait3A_242] : memref<512x48xf32, #tpu.memory_space<vmem>> -> memref<1x33xf32, #tpu.memory_space<vmem>>
      %dma_wait3A_244 = tpu.memref_squeeze %dma_wait3A_243 : memref<1x33xf32, #tpu.memory_space<vmem>> -> memref<33xf32, #tpu.memory_space<vmem>>
      %dma_wait3A_245 = arith.constant 0 : i32
      %dma_wait3A_246 = tpu.memref_slice %arg4[%dma_wait3A_234, %dma_wait3A_245] : memref<100000x33xf32, #tpu.memory_space<hbm>> -> memref<1x33xf32, #tpu.memory_space<hbm>>
      %dma_wait3A_247 = tpu.memref_squeeze %dma_wait3A_246 : memref<1x33xf32, #tpu.memory_space<hbm>> -> memref<33xf32, #tpu.memory_space<hbm>>
      tpu.wait_dma2 semaphore(%arg10 : memref<!tpu.dma_semaphore, #tpu.memory_space<semaphore_mem>>) src(%dma_wait3A_247 : memref<33xf32, #tpu.memory_space<hbm>>) dst(%dma_wait3A_244 : memref<33xf32, #tpu.memory_space<vmem>>)
      %dma_wait3A_248 = arith.constant 0 : i32
      %dma_wait3A_249 = arith.constant 0 : i32
      %dma_wait3A_250 = arith.constant 0 : i32
      %dma_wait3A_251 = tpu.memref_slice %arg7[%dma_wait3A_249, %dma_wait3A_250] : memref<512x48xf32, #tpu.memory_space<vmem>> -> memref<1x33xf32, #tpu.memory_space<vmem>>
      %dma_wait3A_252 = tpu.memref_squeeze %dma_wait3A_251 : memref<1x33xf32, #tpu.memory_space<vmem>> -> memref<33xf32, #tpu.memory_space<vmem>>
      %dma_wait3A_253 = arith.constant 0 : i32
      %dma_wait3A_254 = tpu.memref_slice %arg4[%dma_wait3A_248, %dma_wait3A_253] : memref<100000x33xf32, #tpu.memory_space<hbm>> -> memref<1x33xf32, #tpu.memory_space<hbm>>
      %dma_wait3A_255 = tpu.memref_squeeze %dma_wait3A_254 : memref<1x33xf32, #tpu.memory_space<hbm>> -> memref<33xf32, #tpu.memory_space<hbm>>
      %dma_wait3A_256 = arith.constant 0 : i32
      %dma_wait3A_257 = tpu.memref_slice %arg7[%dma_wait3A_249, %dma_wait3A_256] : memref<512x48xf32, #tpu.memory_space<vmem>> -> memref<1x33xf32, #tpu.memory_space<vmem>>
      %dma_wait3A_258 = tpu.memref_squeeze %dma_wait3A_257 : memref<1x33xf32, #tpu.memory_space<vmem>> -> memref<33xf32, #tpu.memory_space<vmem>>
      %dma_wait3A_259 = arith.constant 0 : i32
      %dma_wait3A_260 = tpu.memref_slice %arg4[%dma_wait3A_248, %dma_wait3A_259] : memref<100000x33xf32, #tpu.memory_space<hbm>> -> memref<1x33xf32, #tpu.memory_space<hbm>>
      %dma_wait3A_261 = tpu.memref_squeeze %dma_wait3A_260 : memref<1x33xf32, #tpu.memory_space<hbm>> -> memref<33xf32, #tpu.memory_space<hbm>>
      tpu.wait_dma2 semaphore(%arg10 : memref<!tpu.dma_semaphore, #tpu.memory_space<semaphore_mem>>) src(%dma_wait3A_261 : memref<33xf32, #tpu.memory_space<hbm>>) dst(%dma_wait3A_258 : memref<33xf32, #tpu.memory_space<vmem>>)
    }
    %scan3A_147 = arith.constant 64 : i32
    %parallel_loop3A = arith.constant 0 : i32
    %parallel_loop3A_148 = arith.constant 32 : i32
    %parallel_loop3A_149 = arith.constant 1 : i32
    scf.for %parallel_loop3A_150 = %parallel_loop3A to %parallel_loop3A_148 step %parallel_loop3A_149  : i32 {
      %parallel_loop3A_151 = arith.constant 16 : i32
      %parallel_loop3A_152 = arith.muli %parallel_loop3A_150, %parallel_loop3A_151 : i32
      %parallel_loop3A_153 = tpu.iota {dimensions = array<i32: 0>} : vector<16xi32>
      %parallel_loop3A_154 = vector.broadcast %parallel_loop3A_152 : i32 to vector<16xi32>
      %parallel_loop3A_155 = arith.addi %parallel_loop3A_154, %parallel_loop3A_153 : vector<16xi32>
      %parallel_loop3A_156 = tpu.vector_load_idx %arg7[%parallel_loop3A_155, %broadcast_in_dim3A_77] : memref<512x48xf32, #tpu.memory_space<vmem>>[vector<16xi32>, vector<16xi32>], vector<16xf32>,
      %parallel_loop3A_157 = vector.broadcast %squeeze3A : f32 to vector<16xf32>
      %parallel_loop3A_158 = arith.addf %parallel_loop3A_156, %parallel_loop3A_157 : vector<16xf32>
      %parallel_loop3A_159 = math.exp %parallel_loop3A_158 : vector<16xf32>
      %parallel_loop3A_160 = tpu.vector_load_idx %arg7[%parallel_loop3A_155, %broadcast_in_dim3A_79] : memref<512x48xf32, #tpu.memory_space<vmem>>[vector<16xi32>, vector<16xi32>], vector<16xf32>,
      %parallel_loop3A_161 = vector.broadcast %squeeze3A_14 : f32 to vector<16xf32>
      %parallel_loop3A_162 = arith.addf %parallel_loop3A_160, %parallel_loop3A_161 : vector<16xf32>
      %parallel_loop3A_163 = math.exp %parallel_loop3A_162 : vector<16xf32>
      %parallel_loop3A_164 = tpu.vector_load_idx %arg7[%parallel_loop3A_155, %broadcast_in_dim3A_81] : memref<512x48xf32, #tpu.memory_space<vmem>>[vector<16xi32>, vector<16xi32>], vector<16xf32>,
      %parallel_loop3A_165 = vector.broadcast %squeeze3A_16 : f32 to vector<16xf32>
      %parallel_loop3A_166 = arith.addf %parallel_loop3A_164, %parallel_loop3A_165 : vector<16xf32>
      %parallel_loop3A_167 = math.exp %parallel_loop3A_166 : vector<16xf32>
      %parallel_loop3A_168 = tpu.vector_load_idx %arg7[%parallel_loop3A_155, %broadcast_in_dim3A_83] : memref<512x48xf32, #tpu.memory_space<vmem>>[vector<16xi32>, vector<16xi32>], vector<16xf32>,
      %parallel_loop3A_169 = vector.broadcast %squeeze3A_18 : f32 to vector<16xf32>
      %parallel_loop3A_170 = arith.addf %parallel_loop3A_168, %parallel_loop3A_169 : vector<16xf32>
      %parallel_loop3A_171 = math.exp %parallel_loop3A_170 : vector<16xf32>
      %parallel_loop3A_172 = tpu.vector_load_idx %arg7[%parallel_loop3A_155, %broadcast_in_dim3A_85] : memref<512x48xf32, #tpu.memory_space<vmem>>[vector<16xi32>, vector<16xi32>], vector<16xf32>,
      %parallel_loop3A_173 = vector.broadcast %squeeze3A_20 : f32 to vector<16xf32>
      %parallel_loop3A_174 = arith.addf %parallel_loop3A_172, %parallel_loop3A_173 : vector<16xf32>
      %parallel_loop3A_175 = math.exp %parallel_loop3A_174 : vector<16xf32>
      %parallel_loop3A_176 = tpu.vector_load_idx %arg7[%parallel_loop3A_155, %broadcast_in_dim3A_87] : memref<512x48xf32, #tpu.memory_space<vmem>>[vector<16xi32>, vector<16xi32>], vector<16xf32>,
      %parallel_loop3A_177 = vector.broadcast %squeeze3A_22 : f32 to vector<16xf32>
      %parallel_loop3A_178 = arith.addf %parallel_loop3A_176, %parallel_loop3A_177 : vector<16xf32>
      %parallel_loop3A_179 = math.exp %parallel_loop3A_178 : vector<16xf32>
      %parallel_loop3A_180 = tpu.vector_load_idx %arg7[%parallel_loop3A_155, %broadcast_in_dim3A_89] : memref<512x48xf32, #tpu.memory_space<vmem>>[vector<16xi32>, vector<16xi32>], vector<16xf32>,
      %parallel_loop3A_181 = vector.broadcast %squeeze3A_24 : f32 to vector<16xf32>
      %parallel_loop3A_182 = arith.addf %parallel_loop3A_180, %parallel_loop3A_181 : vector<16xf32>
      %parallel_loop3A_183 = math.exp %parallel_loop3A_182 : vector<16xf32>
      %parallel_loop3A_184 = tpu.vector_load_idx %arg7[%parallel_loop3A_155, %broadcast_in_dim3A_91] : memref<512x48xf32, #tpu.memory_space<vmem>>[vector<16xi32>, vector<16xi32>], vector<16xf32>,
      %parallel_loop3A_185 = vector.broadcast %squeeze3A_26 : f32 to vector<16xf32>
      %parallel_loop3A_186 = arith.addf %parallel_loop3A_184, %parallel_loop3A_185 : vector<16xf32>
      %parallel_loop3A_187 = math.exp %parallel_loop3A_186 : vector<16xf32>
      %parallel_loop3A_188 = tpu.vector_load_idx %arg7[%parallel_loop3A_155, %broadcast_in_dim3A_93] : memref<512x48xf32, #tpu.memory_space<vmem>>[vector<16xi32>, vector<16xi32>], vector<16xf32>,
      %parallel_loop3A_189 = vector.broadcast %squeeze3A_28 : f32 to vector<16xf32>
      %parallel_loop3A_190 = arith.addf %parallel_loop3A_188, %parallel_loop3A_189 : vector<16xf32>
      %parallel_loop3A_191 = math.exp %parallel_loop3A_190 : vector<16xf32>
      %parallel_loop3A_192 = tpu.vector_load_idx %arg7[%parallel_loop3A_155, %broadcast_in_dim3A_95] : memref<512x48xf32, #tpu.memory_space<vmem>>[vector<16xi32>, vector<16xi32>], vector<16xf32>,
      %parallel_loop3A_193 = vector.broadcast %squeeze3A_30 : f32 to vector<16xf32>
      %parallel_loop3A_194 = arith.addf %parallel_loop3A_192, %parallel_loop3A_193 : vector<16xf32>
      %parallel_loop3A_195 = math.exp %parallel_loop3A_194 : vector<16xf32>
      %parallel_loop3A_196 = tpu.vector_load_idx %arg7[%parallel_loop3A_155, %broadcast_in_dim3A_97] : memref<512x48xf32, #tpu.memory_space<vmem>>[vector<16xi32>, vector<16xi32>], vector<16xf32>,
      %parallel_loop3A_197 = vector.broadcast %squeeze3A_32 : f32 to vector<16xf32>
      %parallel_loop3A_198 = arith.addf %parallel_loop3A_196, %parallel_loop3A_197 : vector<16xf32>
      %parallel_loop3A_199 = math.exp %parallel_loop3A_198 : vector<16xf32>
      %parallel_loop3A_200 = tpu.vector_load_idx %arg7[%parallel_loop3A_155, %broadcast_in_dim3A_99] : memref<512x48xf32, #tpu.memory_space<vmem>>[vector<16xi32>, vector<16xi32>], vector<16xf32>,
      %parallel_loop3A_201 = vector.broadcast %squeeze3A_34 : f32 to vector<16xf32>
      %parallel_loop3A_202 = arith.addf %parallel_loop3A_200, %parallel_loop3A_201 : vector<16xf32>
      %parallel_loop3A_203 = math.exp %parallel_loop3A_202 : vector<16xf32>
      %parallel_loop3A_204 = tpu.vector_load_idx %arg7[%parallel_loop3A_155, %broadcast_in_dim3A_101] : memref<512x48xf32, #tpu.memory_space<vmem>>[vector<16xi32>, vector<16xi32>], vector<16xf32>,
      %parallel_loop3A_205 = vector.broadcast %squeeze3A_36 : f32 to vector<16xf32>
      %parallel_loop3A_206 = arith.addf %parallel_loop3A_204, %parallel_loop3A_205 : vector<16xf32>
      %parallel_loop3A_207 = math.exp %parallel_loop3A_206 : vector<16xf32>
      %parallel_loop3A_208 = tpu.vector_load_idx %arg7[%parallel_loop3A_155, %broadcast_in_dim3A_103] : memref<512x48xf32, #tpu.memory_space<vmem>>[vector<16xi32>, vector<16xi32>], vector<16xf32>,
      %parallel_loop3A_209 = vector.broadcast %squeeze3A_38 : f32 to vector<16xf32>
      %parallel_loop3A_210 = arith.addf %parallel_loop3A_208, %parallel_loop3A_209 : vector<16xf32>
      %parallel_loop3A_211 = math.exp %parallel_loop3A_210 : vector<16xf32>
      %parallel_loop3A_212 = tpu.vector_load_idx %arg7[%parallel_loop3A_155, %broadcast_in_dim3A_105] : memref<512x48xf32, #tpu.memory_space<vmem>>[vector<16xi32>, vector<16xi32>], vector<16xf32>,
      %parallel_loop3A_213 = vector.broadcast %squeeze3A_40 : f32 to vector<16xf32>
      %parallel_loop3A_214 = arith.addf %parallel_loop3A_212, %parallel_loop3A_213 : vector<16xf32>
      %parallel_loop3A_215 = math.exp %parallel_loop3A_214 : vector<16xf32>
      %parallel_loop3A_216 = tpu.vector_load_idx %arg7[%parallel_loop3A_155, %broadcast_in_dim3A_107] : memref<512x48xf32, #tpu.memory_space<vmem>>[vector<16xi32>, vector<16xi32>], vector<16xf32>,
      %parallel_loop3A_217 = vector.broadcast %squeeze3A_42 : f32 to vector<16xf32>
      %parallel_loop3A_218 = arith.addf %parallel_loop3A_216, %parallel_loop3A_217 : vector<16xf32>
      %parallel_loop3A_219 = math.exp %parallel_loop3A_218 : vector<16xf32>
      %parallel_loop3A_220 = tpu.vector_load_idx %arg7[%parallel_loop3A_155, %broadcast_in_dim3A_109] : memref<512x48xf32, #tpu.memory_space<vmem>>[vector<16xi32>, vector<16xi32>], vector<16xf32>,
      %parallel_loop3A_221 = vector.broadcast %squeeze3A_44 : f32 to vector<16xf32>
      %parallel_loop3A_222 = arith.addf %parallel_loop3A_220, %parallel_loop3A_221 : vector<16xf32>
      %parallel_loop3A_223 = math.exp %parallel_loop3A_222 : vector<16xf32>
      %parallel_loop3A_224 = tpu.vector_load_idx %arg7[%parallel_loop3A_155, %broadcast_in_dim3A_111] : memref<512x48xf32, #tpu.memory_space<vmem>>[vector<16xi32>, vector<16xi32>], vector<16xf32>,
      %parallel_loop3A_225 = vector.broadcast %squeeze3A_46 : f32 to vector<16xf32>
      %parallel_loop3A_226 = arith.addf %parallel_loop3A_224, %parallel_loop3A_225 : vector<16xf32>
      %parallel_loop3A_227 = math.exp %parallel_loop3A_226 : vector<16xf32>
      %parallel_loop3A_228 = tpu.vector_load_idx %arg7[%parallel_loop3A_155, %broadcast_in_dim3A_113] : memref<512x48xf32, #tpu.memory_space<vmem>>[vector<16xi32>, vector<16xi32>], vector<16xf32>,
      %parallel_loop3A_229 = vector.broadcast %squeeze3A_48 : f32 to vector<16xf32>
      %parallel_loop3A_230 = arith.addf %parallel_loop3A_228, %parallel_loop3A_229 : vector<16xf32>
      %parallel_loop3A_231 = math.exp %parallel_loop3A_230 : vector<16xf32>
      %parallel_loop3A_232 = tpu.vector_load_idx %arg7[%parallel_loop3A_155, %broadcast_in_dim3A_115] : memref<512x48xf32, #tpu.memory_space<vmem>>[vector<16xi32>, vector<16xi32>], vector<16xf32>,
      %parallel_loop3A_233 = vector.broadcast %squeeze3A_50 : f32 to vector<16xf32>
      %parallel_loop3A_234 = arith.addf %parallel_loop3A_232, %parallel_loop3A_233 : vector<16xf32>
      %parallel_loop3A_235 = math.exp %parallel_loop3A_234 : vector<16xf32>
      %parallel_loop3A_236 = tpu.vector_load_idx %arg7[%parallel_loop3A_155, %broadcast_in_dim3A_117] : memref<512x48xf32, #tpu.memory_space<vmem>>[vector<16xi32>, vector<16xi32>], vector<16xf32>,
      %parallel_loop3A_237 = vector.broadcast %squeeze3A_52 : f32 to vector<16xf32>
      %parallel_loop3A_238 = arith.addf %parallel_loop3A_236, %parallel_loop3A_237 : vector<16xf32>
      %parallel_loop3A_239 = math.exp %parallel_loop3A_238 : vector<16xf32>
      %parallel_loop3A_240 = tpu.vector_load_idx %arg7[%parallel_loop3A_155, %broadcast_in_dim3A_119] : memref<512x48xf32, #tpu.memory_space<vmem>>[vector<16xi32>, vector<16xi32>], vector<16xf32>,
      %parallel_loop3A_241 = vector.broadcast %squeeze3A_54 : f32 to vector<16xf32>
      %parallel_loop3A_242 = arith.addf %parallel_loop3A_240, %parallel_loop3A_241 : vector<16xf32>
      %parallel_loop3A_243 = math.exp %parallel_loop3A_242 : vector<16xf32>
      %parallel_loop3A_244 = tpu.vector_load_idx %arg7[%parallel_loop3A_155, %broadcast_in_dim3A_121] : memref<512x48xf32, #tpu.memory_space<vmem>>[vector<16xi32>, vector<16xi32>], vector<16xf32>,
      %parallel_loop3A_245 = vector.broadcast %squeeze3A_56 : f32 to vector<16xf32>
      %parallel_loop3A_246 = arith.addf %parallel_loop3A_244, %parallel_loop3A_245 : vector<16xf32>
      %parallel_loop3A_247 = math.exp %parallel_loop3A_246 : vector<16xf32>
      %parallel_loop3A_248 = tpu.vector_load_idx %arg7[%parallel_loop3A_155, %broadcast_in_dim3A_123] : memref<512x48xf32, #tpu.memory_space<vmem>>[vector<16xi32>, vector<16xi32>], vector<16xf32>,
      %parallel_loop3A_249 = vector.broadcast %squeeze3A_58 : f32 to vector<16xf32>
      %parallel_loop3A_250 = arith.addf %parallel_loop3A_248, %parallel_loop3A_249 : vector<16xf32>
      %parallel_loop3A_251 = math.exp %parallel_loop3A_250 : vector<16xf32>
      %parallel_loop3A_252 = tpu.vector_load_idx %arg7[%parallel_loop3A_155, %broadcast_in_dim3A_125] : memref<512x48xf32, #tpu.memory_space<vmem>>[vector<16xi32>, vector<16xi32>], vector<16xf32>,
      %parallel_loop3A_253 = vector.broadcast %squeeze3A_60 : f32 to vector<16xf32>
      %parallel_loop3A_254 = arith.addf %parallel_loop3A_252, %parallel_loop3A_253 : vector<16xf32>
      %parallel_loop3A_255 = math.exp %parallel_loop3A_254 : vector<16xf32>
      %parallel_loop3A_256 = tpu.vector_load_idx %arg7[%parallel_loop3A_155, %broadcast_in_dim3A_127] : memref<512x48xf32, #tpu.memory_space<vmem>>[vector<16xi32>, vector<16xi32>], vector<16xf32>,
      %parallel_loop3A_257 = vector.broadcast %squeeze3A_62 : f32 to vector<16xf32>
      %parallel_loop3A_258 = arith.addf %parallel_loop3A_256, %parallel_loop3A_257 : vector<16xf32>
      %parallel_loop3A_259 = math.exp %parallel_loop3A_258 : vector<16xf32>
      %parallel_loop3A_260 = tpu.vector_load_idx %arg7[%parallel_loop3A_155, %broadcast_in_dim3A_129] : memref<512x48xf32, #tpu.memory_space<vmem>>[vector<16xi32>, vector<16xi32>], vector<16xf32>,
      %parallel_loop3A_261 = vector.broadcast %squeeze3A_64 : f32 to vector<16xf32>
      %parallel_loop3A_262 = arith.addf %parallel_loop3A_260, %parallel_loop3A_261 : vector<16xf32>
      %parallel_loop3A_263 = math.exp %parallel_loop3A_262 : vector<16xf32>
      %parallel_loop3A_264 = tpu.vector_load_idx %arg7[%parallel_loop3A_155, %broadcast_in_dim3A_131] : memref<512x48xf32, #tpu.memory_space<vmem>>[vector<16xi32>, vector<16xi32>], vector<16xf32>,
      %parallel_loop3A_265 = vector.broadcast %squeeze3A_66 : f32 to vector<16xf32>
      %parallel_loop3A_266 = arith.addf %parallel_loop3A_264, %parallel_loop3A_265 : vector<16xf32>
      %parallel_loop3A_267 = math.exp %parallel_loop3A_266 : vector<16xf32>
      %parallel_loop3A_268 = tpu.vector_load_idx %arg7[%parallel_loop3A_155, %broadcast_in_dim3A_133] : memref<512x48xf32, #tpu.memory_space<vmem>>[vector<16xi32>, vector<16xi32>], vector<16xf32>,
      %parallel_loop3A_269 = vector.broadcast %squeeze3A_68 : f32 to vector<16xf32>
      %parallel_loop3A_270 = arith.addf %parallel_loop3A_268, %parallel_loop3A_269 : vector<16xf32>
      %parallel_loop3A_271 = math.exp %parallel_loop3A_270 : vector<16xf32>
      %parallel_loop3A_272 = tpu.vector_load_idx %arg7[%parallel_loop3A_155, %broadcast_in_dim3A_135] : memref<512x48xf32, #tpu.memory_space<vmem>>[vector<16xi32>, vector<16xi32>], vector<16xf32>,
      %parallel_loop3A_273 = vector.broadcast %squeeze3A_70 : f32 to vector<16xf32>
      %parallel_loop3A_274 = arith.addf %parallel_loop3A_272, %parallel_loop3A_273 : vector<16xf32>
      %parallel_loop3A_275 = math.exp %parallel_loop3A_274 : vector<16xf32>
      %parallel_loop3A_276 = tpu.vector_load_idx %arg7[%parallel_loop3A_155, %broadcast_in_dim3A_137] : memref<512x48xf32, #tpu.memory_space<vmem>>[vector<16xi32>, vector<16xi32>], vector<16xf32>,
      %parallel_loop3A_277 = vector.broadcast %squeeze3A_72 : f32 to vector<16xf32>
      %parallel_loop3A_278 = arith.addf %parallel_loop3A_276, %parallel_loop3A_277 : vector<16xf32>
      %parallel_loop3A_279 = math.exp %parallel_loop3A_278 : vector<16xf32>
      %parallel_loop3A_280 = tpu.vector_load_idx %arg7[%parallel_loop3A_155, %broadcast_in_dim3A_139] : memref<512x48xf32, #tpu.memory_space<vmem>>[vector<16xi32>, vector<16xi32>], vector<16xf32>,
      %parallel_loop3A_281 = vector.broadcast %squeeze3A_74 : f32 to vector<16xf32>
      %parallel_loop3A_282 = arith.addf %parallel_loop3A_280, %parallel_loop3A_281 : vector<16xf32>
      %parallel_loop3A_283 = math.exp %parallel_loop3A_282 : vector<16xf32>
      %parallel_loop3A_284 = tpu.vector_load_idx %arg7[%parallel_loop3A_155, %broadcast_in_dim3A_141] : memref<512x48xf32, #tpu.memory_space<vmem>>[vector<16xi32>, vector<16xi32>], vector<16xf32>,
      %parallel_loop3A_285 = vector.broadcast %squeeze3A_76 : f32 to vector<16xf32>
      %parallel_loop3A_286 = arith.addf %parallel_loop3A_284, %parallel_loop3A_285 : vector<16xf32>
      %parallel_loop3A_287 = math.exp %parallel_loop3A_286 : vector<16xf32>
      %parallel_loop3A_288 = arith.addf %parallel_loop3A_159, %parallel_loop3A_163 : vector<16xf32>
      %parallel_loop3A_289 = arith.addf %parallel_loop3A_167, %parallel_loop3A_171 : vector<16xf32>
      %parallel_loop3A_290 = arith.addf %parallel_loop3A_175, %parallel_loop3A_179 : vector<16xf32>
      %parallel_loop3A_291 = arith.addf %parallel_loop3A_183, %parallel_loop3A_187 : vector<16xf32>
      %parallel_loop3A_292 = arith.addf %parallel_loop3A_191, %parallel_loop3A_195 : vector<16xf32>
      %parallel_loop3A_293 = arith.addf %parallel_loop3A_199, %parallel_loop3A_203 : vector<16xf32>
      %parallel_loop3A_294 = arith.addf %parallel_loop3A_207, %parallel_loop3A_211 : vector<16xf32>
      %parallel_loop3A_295 = arith.addf %parallel_loop3A_215, %parallel_loop3A_219 : vector<16xf32>
      %parallel_loop3A_296 = arith.addf %parallel_loop3A_223, %parallel_loop3A_227 : vector<16xf32>
      %parallel_loop3A_297 = arith.addf %parallel_loop3A_231, %parallel_loop3A_235 : vector<16xf32>
      %parallel_loop3A_298 = arith.addf %parallel_loop3A_239, %parallel_loop3A_243 : vector<16xf32>
      %parallel_loop3A_299 = arith.addf %parallel_loop3A_247, %parallel_loop3A_251 : vector<16xf32>
      %parallel_loop3A_300 = arith.addf %parallel_loop3A_255, %parallel_loop3A_259 : vector<16xf32>
      %parallel_loop3A_301 = arith.addf %parallel_loop3A_263, %parallel_loop3A_267 : vector<16xf32>
      %parallel_loop3A_302 = arith.addf %parallel_loop3A_271, %parallel_loop3A_275 : vector<16xf32>
      %parallel_loop3A_303 = arith.addf %parallel_loop3A_279, %parallel_loop3A_283 : vector<16xf32>
      %parallel_loop3A_304 = arith.addf %parallel_loop3A_288, %parallel_loop3A_289 : vector<16xf32>
      %parallel_loop3A_305 = arith.addf %parallel_loop3A_290, %parallel_loop3A_291 : vector<16xf32>
      %parallel_loop3A_306 = arith.addf %parallel_loop3A_292, %parallel_loop3A_293 : vector<16xf32>
      %parallel_loop3A_307 = arith.addf %parallel_loop3A_294, %parallel_loop3A_295 : vector<16xf32>
      %parallel_loop3A_308 = arith.addf %parallel_loop3A_296, %parallel_loop3A_297 : vector<16xf32>
      %parallel_loop3A_309 = arith.addf %parallel_loop3A_298, %parallel_loop3A_299 : vector<16xf32>
      %parallel_loop3A_310 = arith.addf %parallel_loop3A_300, %parallel_loop3A_301 : vector<16xf32>
      %parallel_loop3A_311 = arith.addf %parallel_loop3A_302, %parallel_loop3A_303 : vector<16xf32>
      %parallel_loop3A_312 = arith.addf %parallel_loop3A_304, %parallel_loop3A_305 : vector<16xf32>
      %parallel_loop3A_313 = arith.addf %parallel_loop3A_306, %parallel_loop3A_307 : vector<16xf32>
      %parallel_loop3A_314 = arith.addf %parallel_loop3A_308, %parallel_loop3A_309 : vector<16xf32>
      %parallel_loop3A_315 = arith.addf %parallel_loop3A_310, %parallel_loop3A_311 : vector<16xf32>
      %parallel_loop3A_316 = arith.addf %parallel_loop3A_312, %parallel_loop3A_313 : vector<16xf32>
      %parallel_loop3A_317 = arith.addf %parallel_loop3A_314, %parallel_loop3A_315 : vector<16xf32>
      %parallel_loop3A_318 = arith.addf %parallel_loop3A_316, %parallel_loop3A_317 : vector<16xf32>
      %parallel_loop3A_319 = arith.addf %parallel_loop3A_318, %parallel_loop3A_287 : vector<16xf32>
      %parallel_loop3A_320 = arith.constant 1.000000e+00 : f32
      %parallel_loop3A_321 = vector.broadcast %parallel_loop3A_320 : f32 to vector<16xf32>
      %parallel_loop3A_322 = arith.divf %parallel_loop3A_321, %parallel_loop3A_319 : vector<16xf32>
      %parallel_loop3A_323 = arith.mulf %parallel_loop3A_159, %parallel_loop3A_322 : vector<16xf32>
      %parallel_loop3A_324 = arith.constant 16 : i32
      %parallel_loop3A_325 = arith.muli %parallel_loop3A_150, %parallel_loop3A_324 : i32
      %parallel_loop3A_326 = arith.constant 0 : i32
      %parallel_loop3A_327 = arith.index_cast %parallel_loop3A_326 : i32 to index
      %parallel_loop3A_328 = arith.index_cast %parallel_loop3A_325 : i32 to index
      %parallel_loop3A_329 = tpu.vector_load %arg8[%parallel_loop3A_327, %parallel_loop3A_328] {strides = array<i32>} : memref<33x512xf32, #tpu.memory_space<vmem>>, vector<16xf32>,
      tpu.vector_store %arg8[%parallel_loop3A_327, %parallel_loop3A_328], %parallel_loop3A_323 {strides = array<i32>} : memref<33x512xf32, #tpu.memory_space<vmem>>, vector<16xf32>,
      %parallel_loop3A_330 = arith.mulf %parallel_loop3A_163, %parallel_loop3A_322 : vector<16xf32>
      %parallel_loop3A_331 = arith.constant 16 : i32
      %parallel_loop3A_332 = arith.muli %parallel_loop3A_150, %parallel_loop3A_331 : i32
      %parallel_loop3A_333 = arith.constant 1 : i32
      %parallel_loop3A_334 = arith.index_cast %parallel_loop3A_333 : i32 to index
      %parallel_loop3A_335 = arith.index_cast %parallel_loop3A_332 : i32 to index
      %parallel_loop3A_336 = tpu.vector_load %arg8[%parallel_loop3A_334, %parallel_loop3A_335] {strides = array<i32>} : memref<33x512xf32, #tpu.memory_space<vmem>>, vector<16xf32>,
      tpu.vector_store %arg8[%parallel_loop3A_334, %parallel_loop3A_335], %parallel_loop3A_330 {strides = array<i32>} : memref<33x512xf32, #tpu.memory_space<vmem>>, vector<16xf32>,
      %parallel_loop3A_337 = arith.mulf %parallel_loop3A_167, %parallel_loop3A_322 : vector<16xf32>
      %parallel_loop3A_338 = arith.constant 16 : i32
      %parallel_loop3A_339 = arith.muli %parallel_loop3A_150, %parallel_loop3A_338 : i32
      %parallel_loop3A_340 = arith.constant 2 : i32
      %parallel_loop3A_341 = arith.index_cast %parallel_loop3A_340 : i32 to index
      %parallel_loop3A_342 = arith.index_cast %parallel_loop3A_339 : i32 to index
      %parallel_loop3A_343 = tpu.vector_load %arg8[%parallel_loop3A_341, %parallel_loop3A_342] {strides = array<i32>} : memref<33x512xf32, #tpu.memory_space<vmem>>, vector<16xf32>,
      tpu.vector_store %arg8[%parallel_loop3A_341, %parallel_loop3A_342], %parallel_loop3A_337 {strides = array<i32>} : memref<33x512xf32, #tpu.memory_space<vmem>>, vector<16xf32>,
      %parallel_loop3A_344 = arith.mulf %parallel_loop3A_171, %parallel_loop3A_322 : vector<16xf32>
      %parallel_loop3A_345 = arith.constant 16 : i32
      %parallel_loop3A_346 = arith.muli %parallel_loop3A_150, %parallel_loop3A_345 : i32
      %parallel_loop3A_347 = arith.constant 3 : i32
      %parallel_loop3A_348 = arith.index_cast %parallel_loop3A_347 : i32 to index
      %parallel_loop3A_349 = arith.index_cast %parallel_loop3A_346 : i32 to index
      %parallel_loop3A_350 = tpu.vector_load %arg8[%parallel_loop3A_348, %parallel_loop3A_349] {strides = array<i32>} : memref<33x512xf32, #tpu.memory_space<vmem>>, vector<16xf32>,
      tpu.vector_store %arg8[%parallel_loop3A_348, %parallel_loop3A_349], %parallel_loop3A_344 {strides = array<i32>} : memref<33x512xf32, #tpu.memory_space<vmem>>, vector<16xf32>,
      %parallel_loop3A_351 = arith.mulf %parallel_loop3A_175, %parallel_loop3A_322 : vector<16xf32>
      %parallel_loop3A_352 = arith.constant 16 : i32
      %parallel_loop3A_353 = arith.muli %parallel_loop3A_150, %parallel_loop3A_352 : i32
      %parallel_loop3A_354 = arith.constant 4 : i32
      %parallel_loop3A_355 = arith.index_cast %parallel_loop3A_354 : i32 to index
      %parallel_loop3A_356 = arith.index_cast %parallel_loop3A_353 : i32 to index
      %parallel_loop3A_357 = tpu.vector_load %arg8[%parallel_loop3A_355, %parallel_loop3A_356] {strides = array<i32>} : memref<33x512xf32, #tpu.memory_space<vmem>>, vector<16xf32>,
      tpu.vector_store %arg8[%parallel_loop3A_355, %parallel_loop3A_356], %parallel_loop3A_351 {strides = array<i32>} : memref<33x512xf32, #tpu.memory_space<vmem>>, vector<16xf32>,
      %parallel_loop3A_358 = arith.mulf %parallel_loop3A_179, %parallel_loop3A_322 : vector<16xf32>
      %parallel_loop3A_359 = arith.constant 16 : i32
      %parallel_loop3A_360 = arith.muli %parallel_loop3A_150, %parallel_loop3A_359 : i32
      %parallel_loop3A_361 = arith.constant 5 : i32
      %parallel_loop3A_362 = arith.index_cast %parallel_loop3A_361 : i32 to index
      %parallel_loop3A_363 = arith.index_cast %parallel_loop3A_360 : i32 to index
      %parallel_loop3A_364 = tpu.vector_load %arg8[%parallel_loop3A_362, %parallel_loop3A_363] {strides = array<i32>} : memref<33x512xf32, #tpu.memory_space<vmem>>, vector<16xf32>,
      tpu.vector_store %arg8[%parallel_loop3A_362, %parallel_loop3A_363], %parallel_loop3A_358 {strides = array<i32>} : memref<33x512xf32, #tpu.memory_space<vmem>>, vector<16xf32>,
      %parallel_loop3A_365 = arith.mulf %parallel_loop3A_183, %parallel_loop3A_322 : vector<16xf32>
      %parallel_loop3A_366 = arith.constant 16 : i32
      %parallel_loop3A_367 = arith.muli %parallel_loop3A_150, %parallel_loop3A_366 : i32
      %parallel_loop3A_368 = arith.constant 6 : i32
      %parallel_loop3A_369 = arith.index_cast %parallel_loop3A_368 : i32 to index
      %parallel_loop3A_370 = arith.index_cast %parallel_loop3A_367 : i32 to index
      %parallel_loop3A_371 = tpu.vector_load %arg8[%parallel_loop3A_369, %parallel_loop3A_370] {strides = array<i32>} : memref<33x512xf32, #tpu.memory_space<vmem>>, vector<16xf32>,
      tpu.vector_store %arg8[%parallel_loop3A_369, %parallel_loop3A_370], %parallel_loop3A_365 {strides = array<i32>} : memref<33x512xf32, #tpu.memory_space<vmem>>, vector<16xf32>,
      %parallel_loop3A_372 = arith.mulf %parallel_loop3A_187, %parallel_loop3A_322 : vector<16xf32>
      %parallel_loop3A_373 = arith.constant 16 : i32
      %parallel_loop3A_374 = arith.muli %parallel_loop3A_150, %parallel_loop3A_373 : i32
      %parallel_loop3A_375 = arith.constant 7 : i32
      %parallel_loop3A_376 = arith.index_cast %parallel_loop3A_375 : i32 to index
      %parallel_loop3A_377 = arith.index_cast %parallel_loop3A_374 : i32 to index
      %parallel_loop3A_378 = tpu.vector_load %arg8[%parallel_loop3A_376, %parallel_loop3A_377] {strides = array<i32>} : memref<33x512xf32, #tpu.memory_space<vmem>>, vector<16xf32>,
      tpu.vector_store %arg8[%parallel_loop3A_376, %parallel_loop3A_377], %parallel_loop3A_372 {strides = array<i32>} : memref<33x512xf32, #tpu.memory_space<vmem>>, vector<16xf32>,
      %parallel_loop3A_379 = arith.mulf %parallel_loop3A_191, %parallel_loop3A_322 : vector<16xf32>
      %parallel_loop3A_380 = arith.constant 16 : i32
      %parallel_loop3A_381 = arith.muli %parallel_loop3A_150, %parallel_loop3A_380 : i32
      %parallel_loop3A_382 = arith.constant 8 : i32
      %parallel_loop3A_383 = arith.index_cast %parallel_loop3A_382 : i32 to index
      %parallel_loop3A_384 = arith.index_cast %parallel_loop3A_381 : i32 to index
      %parallel_loop3A_385 = tpu.vector_load %arg8[%parallel_loop3A_383, %parallel_loop3A_384] {strides = array<i32>} : memref<33x512xf32, #tpu.memory_space<vmem>>, vector<16xf32>,
      tpu.vector_store %arg8[%parallel_loop3A_383, %parallel_loop3A_384], %parallel_loop3A_379 {strides = array<i32>} : memref<33x512xf32, #tpu.memory_space<vmem>>, vector<16xf32>,
      %parallel_loop3A_386 = arith.mulf %parallel_loop3A_195, %parallel_loop3A_322 : vector<16xf32>
      %parallel_loop3A_387 = arith.constant 16 : i32
      %parallel_loop3A_388 = arith.muli %parallel_loop3A_150, %parallel_loop3A_387 : i32
      %parallel_loop3A_389 = arith.constant 9 : i32
      %parallel_loop3A_390 = arith.index_cast %parallel_loop3A_389 : i32 to index
      %parallel_loop3A_391 = arith.index_cast %parallel_loop3A_388 : i32 to index
      %parallel_loop3A_392 = tpu.vector_load %arg8[%parallel_loop3A_390, %parallel_loop3A_391] {strides = array<i32>} : memref<33x512xf32, #tpu.memory_space<vmem>>, vector<16xf32>,
      tpu.vector_store %arg8[%parallel_loop3A_390, %parallel_loop3A_391], %parallel_loop3A_386 {strides = array<i32>} : memref<33x512xf32, #tpu.memory_space<vmem>>, vector<16xf32>,
      %parallel_loop3A_393 = arith.mulf %parallel_loop3A_199, %parallel_loop3A_322 : vector<16xf32>
      %parallel_loop3A_394 = arith.constant 16 : i32
      %parallel_loop3A_395 = arith.muli %parallel_loop3A_150, %parallel_loop3A_394 : i32
      %parallel_loop3A_396 = arith.constant 10 : i32
      %parallel_loop3A_397 = arith.index_cast %parallel_loop3A_396 : i32 to index
      %parallel_loop3A_398 = arith.index_cast %parallel_loop3A_395 : i32 to index
      %parallel_loop3A_399 = tpu.vector_load %arg8[%parallel_loop3A_397, %parallel_loop3A_398] {strides = array<i32>} : memref<33x512xf32, #tpu.memory_space<vmem>>, vector<16xf32>,
      tpu.vector_store %arg8[%parallel_loop3A_397, %parallel_loop3A_398], %parallel_loop3A_393 {strides = array<i32>} : memref<33x512xf32, #tpu.memory_space<vmem>>, vector<16xf32>,
      %parallel_loop3A_400 = arith.mulf %parallel_loop3A_203, %parallel_loop3A_322 : vector<16xf32>
      %parallel_loop3A_401 = arith.constant 16 : i32
      %parallel_loop3A_402 = arith.muli %parallel_loop3A_150, %parallel_loop3A_401 : i32
      %parallel_loop3A_403 = arith.constant 11 : i32
      %parallel_loop3A_404 = arith.index_cast %parallel_loop3A_403 : i32 to index
      %parallel_loop3A_405 = arith.index_cast %parallel_loop3A_402 : i32 to index
      %parallel_loop3A_406 = tpu.vector_load %arg8[%parallel_loop3A_404, %parallel_loop3A_405] {strides = array<i32>} : memref<33x512xf32, #tpu.memory_space<vmem>>, vector<16xf32>,
      tpu.vector_store %arg8[%parallel_loop3A_404, %parallel_loop3A_405], %parallel_loop3A_400 {strides = array<i32>} : memref<33x512xf32, #tpu.memory_space<vmem>>, vector<16xf32>,
      %parallel_loop3A_407 = arith.mulf %parallel_loop3A_207, %parallel_loop3A_322 : vector<16xf32>
      %parallel_loop3A_408 = arith.constant 16 : i32
      %parallel_loop3A_409 = arith.muli %parallel_loop3A_150, %parallel_loop3A_408 : i32
      %parallel_loop3A_410 = arith.constant 12 : i32
      %parallel_loop3A_411 = arith.index_cast %parallel_loop3A_410 : i32 to index
      %parallel_loop3A_412 = arith.index_cast %parallel_loop3A_409 : i32 to index
      %parallel_loop3A_413 = tpu.vector_load %arg8[%parallel_loop3A_411, %parallel_loop3A_412] {strides = array<i32>} : memref<33x512xf32, #tpu.memory_space<vmem>>, vector<16xf32>,
      tpu.vector_store %arg8[%parallel_loop3A_411, %parallel_loop3A_412], %parallel_loop3A_407 {strides = array<i32>} : memref<33x512xf32, #tpu.memory_space<vmem>>, vector<16xf32>,
      %parallel_loop3A_414 = arith.mulf %parallel_loop3A_211, %parallel_loop3A_322 : vector<16xf32>
      %parallel_loop3A_415 = arith.constant 16 : i32
      %parallel_loop3A_416 = arith.muli %parallel_loop3A_150, %parallel_loop3A_415 : i32
      %parallel_loop3A_417 = arith.constant 13 : i32
      %parallel_loop3A_418 = arith.index_cast %parallel_loop3A_417 : i32 to index
      %parallel_loop3A_419 = arith.index_cast %parallel_loop3A_416 : i32 to index
      %parallel_loop3A_420 = tpu.vector_load %arg8[%parallel_loop3A_418, %parallel_loop3A_419] {strides = array<i32>} : memref<33x512xf32, #tpu.memory_space<vmem>>, vector<16xf32>,
      tpu.vector_store %arg8[%parallel_loop3A_418, %parallel_loop3A_419], %parallel_loop3A_414 {strides = array<i32>} : memref<33x512xf32, #tpu.memory_space<vmem>>, vector<16xf32>,
      %parallel_loop3A_421 = arith.mulf %parallel_loop3A_215, %parallel_loop3A_322 : vector<16xf32>
      %parallel_loop3A_422 = arith.constant 16 : i32
      %parallel_loop3A_423 = arith.muli %parallel_loop3A_150, %parallel_loop3A_422 : i32
      %parallel_loop3A_424 = arith.constant 14 : i32
      %parallel_loop3A_425 = arith.index_cast %parallel_loop3A_424 : i32 to index
      %parallel_loop3A_426 = arith.index_cast %parallel_loop3A_423 : i32 to index
      %parallel_loop3A_427 = tpu.vector_load %arg8[%parallel_loop3A_425, %parallel_loop3A_426] {strides = array<i32>} : memref<33x512xf32, #tpu.memory_space<vmem>>, vector<16xf32>,
      tpu.vector_store %arg8[%parallel_loop3A_425, %parallel_loop3A_426], %parallel_loop3A_421 {strides = array<i32>} : memref<33x512xf32, #tpu.memory_space<vmem>>, vector<16xf32>,
      %parallel_loop3A_428 = arith.mulf %parallel_loop3A_219, %parallel_loop3A_322 : vector<16xf32>
      %parallel_loop3A_429 = arith.constant 16 : i32
      %parallel_loop3A_430 = arith.muli %parallel_loop3A_150, %parallel_loop3A_429 : i32
      %parallel_loop3A_431 = arith.constant 15 : i32
      %parallel_loop3A_432 = arith.index_cast %parallel_loop3A_431 : i32 to index
      %parallel_loop3A_433 = arith.index_cast %parallel_loop3A_430 : i32 to index
      %parallel_loop3A_434 = tpu.vector_load %arg8[%parallel_loop3A_432, %parallel_loop3A_433] {strides = array<i32>} : memref<33x512xf32, #tpu.memory_space<vmem>>, vector<16xf32>,
      tpu.vector_store %arg8[%parallel_loop3A_432, %parallel_loop3A_433], %parallel_loop3A_428 {strides = array<i32>} : memref<33x512xf32, #tpu.memory_space<vmem>>, vector<16xf32>,
      %parallel_loop3A_435 = arith.mulf %parallel_loop3A_223, %parallel_loop3A_322 : vector<16xf32>
      %parallel_loop3A_436 = arith.constant 16 : i32
      %parallel_loop3A_437 = arith.muli %parallel_loop3A_150, %parallel_loop3A_436 : i32
      %parallel_loop3A_438 = arith.constant 16 : i32
      %parallel_loop3A_439 = arith.index_cast %parallel_loop3A_438 : i32 to index
      %parallel_loop3A_440 = arith.index_cast %parallel_loop3A_437 : i32 to index
      %parallel_loop3A_441 = tpu.vector_load %arg8[%parallel_loop3A_439, %parallel_loop3A_440] {strides = array<i32>} : memref<33x512xf32, #tpu.memory_space<vmem>>, vector<16xf32>,
      tpu.vector_store %arg8[%parallel_loop3A_439, %parallel_loop3A_440], %parallel_loop3A_435 {strides = array<i32>} : memref<33x512xf32, #tpu.memory_space<vmem>>, vector<16xf32>,
      %parallel_loop3A_442 = arith.mulf %parallel_loop3A_227, %parallel_loop3A_322 : vector<16xf32>
      %parallel_loop3A_443 = arith.constant 16 : i32
      %parallel_loop3A_444 = arith.muli %parallel_loop3A_150, %parallel_loop3A_443 : i32
      %parallel_loop3A_445 = arith.constant 17 : i32
      %parallel_loop3A_446 = arith.index_cast %parallel_loop3A_445 : i32 to index
      %parallel_loop3A_447 = arith.index_cast %parallel_loop3A_444 : i32 to index
      %parallel_loop3A_448 = tpu.vector_load %arg8[%parallel_loop3A_446, %parallel_loop3A_447] {strides = array<i32>} : memref<33x512xf32, #tpu.memory_space<vmem>>, vector<16xf32>,
      tpu.vector_store %arg8[%parallel_loop3A_446, %parallel_loop3A_447], %parallel_loop3A_442 {strides = array<i32>} : memref<33x512xf32, #tpu.memory_space<vmem>>, vector<16xf32>,
      %parallel_loop3A_449 = arith.mulf %parallel_loop3A_231, %parallel_loop3A_322 : vector<16xf32>
      %parallel_loop3A_450 = arith.constant 16 : i32
      %parallel_loop3A_451 = arith.muli %parallel_loop3A_150, %parallel_loop3A_450 : i32
      %parallel_loop3A_452 = arith.constant 18 : i32
      %parallel_loop3A_453 = arith.index_cast %parallel_loop3A_452 : i32 to index
      %parallel_loop3A_454 = arith.index_cast %parallel_loop3A_451 : i32 to index
      %parallel_loop3A_455 = tpu.vector_load %arg8[%parallel_loop3A_453, %parallel_loop3A_454] {strides = array<i32>} : memref<33x512xf32, #tpu.memory_space<vmem>>, vector<16xf32>,
      tpu.vector_store %arg8[%parallel_loop3A_453, %parallel_loop3A_454], %parallel_loop3A_449 {strides = array<i32>} : memref<33x512xf32, #tpu.memory_space<vmem>>, vector<16xf32>,
      %parallel_loop3A_456 = arith.mulf %parallel_loop3A_235, %parallel_loop3A_322 : vector<16xf32>
      %parallel_loop3A_457 = arith.constant 16 : i32
      %parallel_loop3A_458 = arith.muli %parallel_loop3A_150, %parallel_loop3A_457 : i32
      %parallel_loop3A_459 = arith.constant 19 : i32
      %parallel_loop3A_460 = arith.index_cast %parallel_loop3A_459 : i32 to index
      %parallel_loop3A_461 = arith.index_cast %parallel_loop3A_458 : i32 to index
      %parallel_loop3A_462 = tpu.vector_load %arg8[%parallel_loop3A_460, %parallel_loop3A_461] {strides = array<i32>} : memref<33x512xf32, #tpu.memory_space<vmem>>, vector<16xf32>,
      tpu.vector_store %arg8[%parallel_loop3A_460, %parallel_loop3A_461], %parallel_loop3A_456 {strides = array<i32>} : memref<33x512xf32, #tpu.memory_space<vmem>>, vector<16xf32>,
      %parallel_loop3A_463 = arith.mulf %parallel_loop3A_239, %parallel_loop3A_322 : vector<16xf32>
      %parallel_loop3A_464 = arith.constant 16 : i32
      %parallel_loop3A_465 = arith.muli %parallel_loop3A_150, %parallel_loop3A_464 : i32
      %parallel_loop3A_466 = arith.constant 20 : i32
      %parallel_loop3A_467 = arith.index_cast %parallel_loop3A_466 : i32 to index
      %parallel_loop3A_468 = arith.index_cast %parallel_loop3A_465 : i32 to index
      %parallel_loop3A_469 = tpu.vector_load %arg8[%parallel_loop3A_467, %parallel_loop3A_468] {strides = array<i32>} : memref<33x512xf32, #tpu.memory_space<vmem>>, vector<16xf32>,
      tpu.vector_store %arg8[%parallel_loop3A_467, %parallel_loop3A_468], %parallel_loop3A_463 {strides = array<i32>} : memref<33x512xf32, #tpu.memory_space<vmem>>, vector<16xf32>,
      %parallel_loop3A_470 = arith.mulf %parallel_loop3A_243, %parallel_loop3A_322 : vector<16xf32>
      %parallel_loop3A_471 = arith.constant 16 : i32
      %parallel_loop3A_472 = arith.muli %parallel_loop3A_150, %parallel_loop3A_471 : i32
      %parallel_loop3A_473 = arith.constant 21 : i32
      %parallel_loop3A_474 = arith.index_cast %parallel_loop3A_473 : i32 to index
      %parallel_loop3A_475 = arith.index_cast %parallel_loop3A_472 : i32 to index
      %parallel_loop3A_476 = tpu.vector_load %arg8[%parallel_loop3A_474, %parallel_loop3A_475] {strides = array<i32>} : memref<33x512xf32, #tpu.memory_space<vmem>>, vector<16xf32>,
      tpu.vector_store %arg8[%parallel_loop3A_474, %parallel_loop3A_475], %parallel_loop3A_470 {strides = array<i32>} : memref<33x512xf32, #tpu.memory_space<vmem>>, vector<16xf32>,
      %parallel_loop3A_477 = arith.mulf %parallel_loop3A_247, %parallel_loop3A_322 : vector<16xf32>
      %parallel_loop3A_478 = arith.constant 16 : i32
      %parallel_loop3A_479 = arith.muli %parallel_loop3A_150, %parallel_loop3A_478 : i32
      %parallel_loop3A_480 = arith.constant 22 : i32
      %parallel_loop3A_481 = arith.index_cast %parallel_loop3A_480 : i32 to index
      %parallel_loop3A_482 = arith.index_cast %parallel_loop3A_479 : i32 to index
      %parallel_loop3A_483 = tpu.vector_load %arg8[%parallel_loop3A_481, %parallel_loop3A_482] {strides = array<i32>} : memref<33x512xf32, #tpu.memory_space<vmem>>, vector<16xf32>,
      tpu.vector_store %arg8[%parallel_loop3A_481, %parallel_loop3A_482], %parallel_loop3A_477 {strides = array<i32>} : memref<33x512xf32, #tpu.memory_space<vmem>>, vector<16xf32>,
      %parallel_loop3A_484 = arith.mulf %parallel_loop3A_251, %parallel_loop3A_322 : vector<16xf32>
      %parallel_loop3A_485 = arith.constant 16 : i32
      %parallel_loop3A_486 = arith.muli %parallel_loop3A_150, %parallel_loop3A_485 : i32
      %parallel_loop3A_487 = arith.constant 23 : i32
      %parallel_loop3A_488 = arith.index_cast %parallel_loop3A_487 : i32 to index
      %parallel_loop3A_489 = arith.index_cast %parallel_loop3A_486 : i32 to index
      %parallel_loop3A_490 = tpu.vector_load %arg8[%parallel_loop3A_488, %parallel_loop3A_489] {strides = array<i32>} : memref<33x512xf32, #tpu.memory_space<vmem>>, vector<16xf32>,
      tpu.vector_store %arg8[%parallel_loop3A_488, %parallel_loop3A_489], %parallel_loop3A_484 {strides = array<i32>} : memref<33x512xf32, #tpu.memory_space<vmem>>, vector<16xf32>,
      %parallel_loop3A_491 = arith.mulf %parallel_loop3A_255, %parallel_loop3A_322 : vector<16xf32>
      %parallel_loop3A_492 = arith.constant 16 : i32
      %parallel_loop3A_493 = arith.muli %parallel_loop3A_150, %parallel_loop3A_492 : i32
      %parallel_loop3A_494 = arith.constant 24 : i32
      %parallel_loop3A_495 = arith.index_cast %parallel_loop3A_494 : i32 to index
      %parallel_loop3A_496 = arith.index_cast %parallel_loop3A_493 : i32 to index
      %parallel_loop3A_497 = tpu.vector_load %arg8[%parallel_loop3A_495, %parallel_loop3A_496] {strides = array<i32>} : memref<33x512xf32, #tpu.memory_space<vmem>>, vector<16xf32>,
      tpu.vector_store %arg8[%parallel_loop3A_495, %parallel_loop3A_496], %parallel_loop3A_491 {strides = array<i32>} : memref<33x512xf32, #tpu.memory_space<vmem>>, vector<16xf32>,
      %parallel_loop3A_498 = arith.mulf %parallel_loop3A_259, %parallel_loop3A_322 : vector<16xf32>
      %parallel_loop3A_499 = arith.constant 16 : i32
      %parallel_loop3A_500 = arith.muli %parallel_loop3A_150, %parallel_loop3A_499 : i32
      %parallel_loop3A_501 = arith.constant 25 : i32
      %parallel_loop3A_502 = arith.index_cast %parallel_loop3A_501 : i32 to index
      %parallel_loop3A_503 = arith.index_cast %parallel_loop3A_500 : i32 to index
      %parallel_loop3A_504 = tpu.vector_load %arg8[%parallel_loop3A_502, %parallel_loop3A_503] {strides = array<i32>} : memref<33x512xf32, #tpu.memory_space<vmem>>, vector<16xf32>,
      tpu.vector_store %arg8[%parallel_loop3A_502, %parallel_loop3A_503], %parallel_loop3A_498 {strides = array<i32>} : memref<33x512xf32, #tpu.memory_space<vmem>>, vector<16xf32>,
      %parallel_loop3A_505 = arith.mulf %parallel_loop3A_263, %parallel_loop3A_322 : vector<16xf32>
      %parallel_loop3A_506 = arith.constant 16 : i32
      %parallel_loop3A_507 = arith.muli %parallel_loop3A_150, %parallel_loop3A_506 : i32
      %parallel_loop3A_508 = arith.constant 26 : i32
      %parallel_loop3A_509 = arith.index_cast %parallel_loop3A_508 : i32 to index
      %parallel_loop3A_510 = arith.index_cast %parallel_loop3A_507 : i32 to index
      %parallel_loop3A_511 = tpu.vector_load %arg8[%parallel_loop3A_509, %parallel_loop3A_510] {strides = array<i32>} : memref<33x512xf32, #tpu.memory_space<vmem>>, vector<16xf32>,
      tpu.vector_store %arg8[%parallel_loop3A_509, %parallel_loop3A_510], %parallel_loop3A_505 {strides = array<i32>} : memref<33x512xf32, #tpu.memory_space<vmem>>, vector<16xf32>,
      %parallel_loop3A_512 = arith.mulf %parallel_loop3A_267, %parallel_loop3A_322 : vector<16xf32>
      %parallel_loop3A_513 = arith.constant 16 : i32
      %parallel_loop3A_514 = arith.muli %parallel_loop3A_150, %parallel_loop3A_513 : i32
      %parallel_loop3A_515 = arith.constant 27 : i32
      %parallel_loop3A_516 = arith.index_cast %parallel_loop3A_515 : i32 to index
      %parallel_loop3A_517 = arith.index_cast %parallel_loop3A_514 : i32 to index
      %parallel_loop3A_518 = tpu.vector_load %arg8[%parallel_loop3A_516, %parallel_loop3A_517] {strides = array<i32>} : memref<33x512xf32, #tpu.memory_space<vmem>>, vector<16xf32>,
      tpu.vector_store %arg8[%parallel_loop3A_516, %parallel_loop3A_517], %parallel_loop3A_512 {strides = array<i32>} : memref<33x512xf32, #tpu.memory_space<vmem>>, vector<16xf32>,
      %parallel_loop3A_519 = arith.mulf %parallel_loop3A_271, %parallel_loop3A_322 : vector<16xf32>
      %parallel_loop3A_520 = arith.constant 16 : i32
      %parallel_loop3A_521 = arith.muli %parallel_loop3A_150, %parallel_loop3A_520 : i32
      %parallel_loop3A_522 = arith.constant 28 : i32
      %parallel_loop3A_523 = arith.index_cast %parallel_loop3A_522 : i32 to index
      %parallel_loop3A_524 = arith.index_cast %parallel_loop3A_521 : i32 to index
      %parallel_loop3A_525 = tpu.vector_load %arg8[%parallel_loop3A_523, %parallel_loop3A_524] {strides = array<i32>} : memref<33x512xf32, #tpu.memory_space<vmem>>, vector<16xf32>,
      tpu.vector_store %arg8[%parallel_loop3A_523, %parallel_loop3A_524], %parallel_loop3A_519 {strides = array<i32>} : memref<33x512xf32, #tpu.memory_space<vmem>>, vector<16xf32>,
      %parallel_loop3A_526 = arith.mulf %parallel_loop3A_275, %parallel_loop3A_322 : vector<16xf32>
      %parallel_loop3A_527 = arith.constant 16 : i32
      %parallel_loop3A_528 = arith.muli %parallel_loop3A_150, %parallel_loop3A_527 : i32
      %parallel_loop3A_529 = arith.constant 29 : i32
      %parallel_loop3A_530 = arith.index_cast %parallel_loop3A_529 : i32 to index
      %parallel_loop3A_531 = arith.index_cast %parallel_loop3A_528 : i32 to index
      %parallel_loop3A_532 = tpu.vector_load %arg8[%parallel_loop3A_530, %parallel_loop3A_531] {strides = array<i32>} : memref<33x512xf32, #tpu.memory_space<vmem>>, vector<16xf32>,
      tpu.vector_store %arg8[%parallel_loop3A_530, %parallel_loop3A_531], %parallel_loop3A_526 {strides = array<i32>} : memref<33x512xf32, #tpu.memory_space<vmem>>, vector<16xf32>,
      %parallel_loop3A_533 = arith.mulf %parallel_loop3A_279, %parallel_loop3A_322 : vector<16xf32>
      %parallel_loop3A_534 = arith.constant 16 : i32
      %parallel_loop3A_535 = arith.muli %parallel_loop3A_150, %parallel_loop3A_534 : i32
      %parallel_loop3A_536 = arith.constant 30 : i32
      %parallel_loop3A_537 = arith.index_cast %parallel_loop3A_536 : i32 to index
      %parallel_loop3A_538 = arith.index_cast %parallel_loop3A_535 : i32 to index
      %parallel_loop3A_539 = tpu.vector_load %arg8[%parallel_loop3A_537, %parallel_loop3A_538] {strides = array<i32>} : memref<33x512xf32, #tpu.memory_space<vmem>>, vector<16xf32>,
      tpu.vector_store %arg8[%parallel_loop3A_537, %parallel_loop3A_538], %parallel_loop3A_533 {strides = array<i32>} : memref<33x512xf32, #tpu.memory_space<vmem>>, vector<16xf32>,
      %parallel_loop3A_540 = arith.mulf %parallel_loop3A_283, %parallel_loop3A_322 : vector<16xf32>
      %parallel_loop3A_541 = arith.constant 16 : i32
      %parallel_loop3A_542 = arith.muli %parallel_loop3A_150, %parallel_loop3A_541 : i32
      %parallel_loop3A_543 = arith.constant 31 : i32
      %parallel_loop3A_544 = arith.index_cast %parallel_loop3A_543 : i32 to index
      %parallel_loop3A_545 = arith.index_cast %parallel_loop3A_542 : i32 to index
      %parallel_loop3A_546 = tpu.vector_load %arg8[%parallel_loop3A_544, %parallel_loop3A_545] {strides = array<i32>} : memref<33x512xf32, #tpu.memory_space<vmem>>, vector<16xf32>,
      tpu.vector_store %arg8[%parallel_loop3A_544, %parallel_loop3A_545], %parallel_loop3A_540 {strides = array<i32>} : memref<33x512xf32, #tpu.memory_space<vmem>>, vector<16xf32>,
      %parallel_loop3A_547 = arith.mulf %parallel_loop3A_287, %parallel_loop3A_322 : vector<16xf32>
      %parallel_loop3A_548 = arith.constant 16 : i32
      %parallel_loop3A_549 = arith.muli %parallel_loop3A_150, %parallel_loop3A_548 : i32
      %parallel_loop3A_550 = arith.constant 32 : i32
      %parallel_loop3A_551 = arith.index_cast %parallel_loop3A_550 : i32 to index
      %parallel_loop3A_552 = arith.index_cast %parallel_loop3A_549 : i32 to index
      %parallel_loop3A_553 = tpu.vector_load %arg8[%parallel_loop3A_551, %parallel_loop3A_552] {strides = array<i32>} : memref<33x512xf32, #tpu.memory_space<vmem>>, vector<16xf32>,
      tpu.vector_store %arg8[%parallel_loop3A_551, %parallel_loop3A_552], %parallel_loop3A_547 {strides = array<i32>} : memref<33x512xf32, #tpu.memory_space<vmem>>, vector<16xf32>,
    } {sc.loop_unroll_factor = 1 : i64, sc.parallel_access}
    "tpu.region"() ({
      %run_scoped3A = tpu.sem_alloc : memref<!tpu.dma_semaphore, #tpu.memory_space<semaphore_mem>>
      %dma_start3A = arith.constant 0 : i32
      %dma_start3A_150 = tpu.memref_slice %arg5[%dma_start3A, %mul3A_2] : memref<33x16384xf32, #tpu.memory_space<hbm>> -> memref<33x512xf32, #tpu.memory_space<hbm>>
      %dma_start3A_151 = arith.constant 0 : i32
      %dma_start3A_152 = tpu.memref_slice %arg5[%dma_start3A_151, %mul3A_2] : memref<33x16384xf32, #tpu.memory_space<hbm>> -> memref<33x512xf32, #tpu.memory_space<hbm>>
      tpu.enqueue_dma source(%arg8 : memref<33x512xf32, #tpu.memory_space<vmem>>) target(%dma_start3A_152 : memref<33x512xf32, #tpu.memory_space<hbm>>) target_semaphore(%run_scoped3A : memref<!tpu.dma_semaphore, #tpu.memory_space<semaphore_mem>>)
      %dma_wait3A = arith.constant 0 : i32
      %dma_wait3A_153 = tpu.memref_slice %arg5[%dma_wait3A, %mul3A_2] : memref<33x16384xf32, #tpu.memory_space<hbm>> -> memref<33x512xf32, #tpu.memory_space<hbm>>
      %dma_wait3A_154 = arith.constant 0 : i32
      %dma_wait3A_155 = tpu.memref_slice %arg5[%dma_wait3A_154, %mul3A_2] : memref<33x16384xf32, #tpu.memory_space<hbm>> -> memref<33x512xf32, #tpu.memory_space<hbm>>
      tpu.wait_dma2 semaphore(%run_scoped3A : memref<!tpu.dma_semaphore, #tpu.memory_space<semaphore_mem>>) src(%arg8 : memref<33x512xf32, #tpu.memory_space<vmem>>) dst(%dma_wait3A_155 : memref<33x512xf32, #tpu.memory_space<hbm>>)
      tpu.yield
    }) : () -> ()
    return
  }
}

</mosaic_0001>

<sc_bundles>
// kernel: kernel.3.cloned.1.call-start
scs
__scs_entry_jumppad:
0x0: {  	(pc) =	sbr.rel $0x88, $3  }
0x1: {  	(tag) =	ssettag $0x0;
	lr =	simm.s32 $0x1  }
0x2: {  	[smem:$0x3F9E] =	sst lr;
	_ =	strace $0xD0000000  }
0x3: {  	_ = 	snop  }
0x4: {  	_ = 	snop  }
0x5: {  	_ = 	snop  }
0x6: {  	_ = 	snop  }
0x7: {  	_ = 	snop  }
__scs_overlays_trampoline_lowered:
0x8: {  	[smem:$0x3FAD] =	sst s0  }
0x9: {  	[smem:$0x3FAE] =	sst s1  }
0xa: {  	[smem:$0x3FAF] =	sst s2  }
0xb: {  	[smem:$0x3FB0] =	sst s3  }
0xc: {  	[smem:$0x3FB1] =	sst s4  }
0xd: {  	[smem:$0x3FB2] =	sst s5  }
0xe: {  	[smem:$0x3FB3] =	sst s6  }
0xf: {  	[smem:$0x3FB4] =	sst s7  }
0x10: {  	[smem:$0x3FB5] =	sst s8  }
0x11: {  	[smem:$0x3FB6] =	sst s9;
	s0 =	simm.s32 @!p0 $0x0  }
0x12: {  	s1 =	sld [smem:$0x3F9C];
	s0 =	simm.s32 @p0 $0x1  }
0x13: {  	[smem:$0x3FB7] =	sst s0;
	s0 =	simm.s32 @!p1 $0x0  }
0x14: {  	s2 =	sld [smem:$0x3F9B];
	s0 =	simm.s32 @p1 $0x1  }
0x15: {  	[smem:$0x3FB8] =	sst s0;
	s0 =	simm.s32 @!p2 $0x0  }
0x16: {  	s3 =	sld [smem:$0x3FDB];
	s0 =	simm.s32 @p2 $0x1  }
0x17: {  	s4 =	simm.s32 $0x1BF5;
	[smem:$0x3FBA] =	sst s0  }
0x18: {  	s0 =	sld [smem:$0x3F9D];
	_ =	swait.ge [sflag:s4], $0x0  }
0x19: {  	s7 =	sld [smem:$0x3F9E]  }
0x1a: {  	s8 =	sadd.s32 $0xFFFFE003, lr  }
0x1b: {  	s9 =	sadd.s32 $0xFFFFFEF7, lr;
	s5 =	simm.s32 $0xFFFFFFFF;
	p2 =	slt.u32 s8, $0xFFFFF086  }
0x1c: {  	p1 =	slt.u32 s9, $0xF7A;
	s5 =	simm.s32 @!p2 $0x0  }
0x1d: {  	s5 =	simm.s32 @p1 $0x1;
	p0 =	seq.s32 s7, s2  }
0x1e: {  	s7 =	smul.u32 @!p0 $0xF7A, s2;
	p2 =	seq.s32 @!p0 s5, $0x0  }
0x1f: {  	s9 =	smul.u32 $0xF7A, s1;
	s8 =	simm.s32 @!p0 $0x1BF5;
	p2 =	por !p2, p0  }
0x20: {  	[sflag:s8] =	ssyncset.s32 @!p0 $0xFFFFF086;
	s6 =	sadd.s32 @!p0 s3, s7;
	s7 =	simm.s32 @!p0 $0x108  }
0x21: {  	s3 =	sadd.s32 s3, s9;
	s6 =	sadd.s32 @!p0 $0x88, s6;
	s7 =	simm.s32 @p2 $0x1082  }
0x22: {  	[simem:s7], [sflag:s8] =	dma.local @!p0 [hbm:s6], $0xF7A  }
0x23: {  	s9 =	sor.u32 $0xD0000000, s2;
	s6 =	simm.s32 $0x108;
	_ =	swait.ge @!p0 [sflag:s8], $0x0  }
0x24: {  	s3 =	sadd.s32 $0x88, s3;
	s6 =	simm.s32 @!p1 $0x1082;
	[sflag:s4] =	ssyncset.s32 $0xFFFFF086  }
0x25: {  	[simem:s6], [sflag:s4] =	dma.local [hbm:s3], $0xF7A  }
0x26: {  	[smem:$0x3F9E] =	sst s1;
	(tag) =	ssettag s2;
	_ =	strace s9  }
0x27: {  	s1 =	sld [smem:$0x3FAE]  }
0x28: {  	s2 =	sld [smem:$0x3FAF]  }
0x29: {  	s4 =	sld [smem:$0x3FB1]  }
0x2a: {  	p0 =	seq.s32 s5, $0x0;
	s5 =	sld [smem:$0x3FB2]  }
0x2b: {  	s6 =	sld [smem:$0x3FB3]  }
0x2c: {  	s7 =	sld [smem:$0x3FB4]  }
0x2d: {  	s3 =	simm.s32 $0x108;
	s8 =	sld [smem:$0x3FB5]  }
0x2e: {  	s3 =	simm.s32 @!p0 $0x1082;
	s9 =	sld [smem:$0x3FB6]  }
0x2f: {  	lr =	sadd.s32 s0, s3;
	s0 =	sld [smem:$0x3FAD]  }
0x30: {  	s3 =	sld [smem:$0x3FB0]  }
0x31: {  	[smem:$0x3FB9] =	sst s10  }
0x32: {  	s10 =	sld [smem:$0x3FB7];
	_ =	sdelay $0x3  }
0x33: {  	p0 =	seq.s32 s10, $0x1;
	s10 =	sld [smem:$0x3FB9];
	_ =	sdelay $0x3  }
0x34: {  	[smem:$0x3FB9] =	sst s10  }
0x35: {  	s10 =	sld [smem:$0x3FB8];
	_ =	sdelay $0x3  }
0x36: {  	p1 =	seq.s32 s10, $0x1;
	s10 =	sld [smem:$0x3FB9];
	_ =	sdelay $0x3  }
0x37: {  	[smem:$0x3FB9] =	sst s10  }
0x38: {  	s10 =	sld [smem:$0x3FBA]  }
0x39: {  	_ = 	snop;
	(pc) =	sbr.ind lr, $3  }
0x3a: {  	_ = 	snop  }
0x3b: {  	_ = 	snop  }
0x3c: {  	p2 =	seq.s32 s10, $0x1;
	s10 =	sld [smem:$0x3FB9]  }
0x3d: {  	_ =	shalt  }
0x3e: {  	_ =	shalt  }
0x3f: {  	_ =	shalt  }
0x40: {  	_ =	shalt  }
0x41: {  	_ =	shalt  }
0x42: {  	_ =	shalt  }
0x43: {  	_ =	shalt  }
0x44: {  	_ =	shalt  }
0x45: {  	_ =	shalt  }
0x46: {  	_ =	shalt  }
0x47: {  	_ =	shalt  }
0x48: {  	_ =	shalt  }
0x49: {  	_ =	shalt  }
0x4a: {  	_ =	shalt  }
0x4b: {  	_ =	shalt  }
0x4c: {  	_ =	shalt  }
0x4d: {  	_ =	shalt  }
0x4e: {  	_ =	shalt  }
0x4f: {  	_ =	shalt  }
0x50: {  	_ =	shalt  }
0x51: {  	_ =	shalt  }
0x52: {  	_ =	shalt  }
0x53: {  	_ =	shalt  }
0x54: {  	_ =	shalt  }
0x55: {  	_ =	shalt  }
0x56: {  	_ =	shalt  }
0x57: {  	_ =	shalt  }
0x58: {  	_ =	shalt  }
0x59: {  	_ =	shalt  }
0x5a: {  	_ =	shalt  }
0x5b: {  	_ =	shalt  }
0x5c: {  	_ =	shalt  }
0x5d: {  	_ =	shalt  }
0x5e: {  	_ =	shalt  }
0x5f: {  	_ =	shalt  }
0x60: {  	_ =	shalt  }
0x61: {  	_ =	shalt  }
0x62: {  	_ =	shalt  }
0x63: {  	_ =	shalt  }
0x64: {  	_ =	shalt  }
0x65: {  	_ =	shalt  }
0x66: {  	_ =	shalt  }
0x67: {  	_ =	shalt  }
0x68: {  	_ =	shalt  }
0x69: {  	_ =	shalt  }
0x6a: {  	_ =	shalt  }
0x6b: {  	_ =	shalt  }
0x6c: {  	_ =	shalt  }
0x6d: {  	_ =	shalt  }
0x6e: {  	_ =	shalt  }
0x6f: {  	_ =	shalt  }
0x70: {  	_ =	shalt  }
0x71: {  	_ =	shalt  }
0x72: {  	_ =	shalt  }
0x73: {  	_ =	shalt  }
0x74: {  	_ =	shalt  }
0x75: {  	_ =	shalt  }
0x76: {  	_ =	shalt  }
0x77: {  	_ =	shalt  }
0x78: {  	_ =	shalt  }
0x79: {  	_ =	shalt  }
0x7a: {  	_ =	shalt  }
0x7b: {  	_ =	shalt  }
0x7c: {  	_ =	shalt  }
0x7d: {  	_ =	shalt  }
0x7e: {  	_ =	shalt  }
0x7f: {  	_ =	shalt  }
0x80: {  	_ =	shalt  }
0x81: {  	_ =	shalt  }
0x82: {  	_ =	shalt  }
0x83: {  	_ =	shalt  }
0x84: {  	_ =	shalt  }
0x85: {  	_ =	shalt  }
0x86: {  	_ =	shalt  }
0x87: {  	_ =	shalt  }
.Lfunc_end0:
.L_simem_size_0:
called_computation_lowered:
.L_overlay_start_0:
0x88: {  	s2 =	sld [smem:$0x3FD9]  }
0x89: {  	s3 =	sld [smem:$0x3FFE];
	_ =	sdelay $0x1  }
0x8a: {  	s1 =	srdreg.scid  }
0x8b: {  	s0 =	sand.u32 $0x1, s1  }
0x8c: {  	s17 =	sshll.u32 s0, $0xA;
	s2 =	sadd.s32 s3, s2  }
0x8d: {  	s2 =	sadd.s32 s2, s17  }
0x8e: {  	[smem:$0x3FC5] =	sst s2  }
0x8f: {  	_ = 	snop  }
0x90: {  	s2 =	sld [smem:$0x3FC9]  }
0x91: {  	s18 =	sld [smem:$0x3FC8]  }
0x92: {  	s4 =	sld [smem:$0x3FD0];
	(tm) =	ssettm $0x1  }
0x93: {  	s5 =	sld [smem:$0x3FFB];
	_ =	sdelay $0x3  }
0x94: {  	_ =	strace s5  }
0x95: {  	s5 =	sld [smem:$0x3FFC];
	_ =	sdelay $0x3  }
0x96: {  	_ =	strace s5  }
0x97: {  	s5 =	sld [smem:$0x3FFD];
	_ =	sdelay $0x3  }
0x98: {  	_ =	strace s5  }
0x99: {  	_ =	strace $0x8FFFFFFF  }
0x9a: {  	s19 =	sld [smem:$0x3FDB];
	_ =	sdelay $0x1  }
0x9b: {  	s6 =	simm.s32 $_scs_section_size  }
0x9c: {  	s7 =	simm.s32 $_size__tile_overlayer_lowered;
	s8 =	simm.s32 $_tile_overlayer_lowered  }
0x9d: {  	s22 =	simm.s32 $0x1BFF;
	s21 =	sshll.u32 s8, $0x1;
	s5 =	sadd.s32 s6, s19  }
0x9e: {  	s9 =	simm.s32 $0x0;
	s20 =	sshll.u32 s7, $0x1;
	s7 =	sadd.s32 s21, s5  }
0x9f: {  	[timem:s9], [sflag:s22] =	dma.local [hbm:s7], s20  }
0xa0: {  	_ =	swait.ge [sflag:s22], s20  }
0xa1: {  	s6 =	ssub.s32 $0x0, s20;
	[sflag:s22] =	ssyncset.done $0x0  }
0xa2: {  	[sflag:s22] =	ssyncadd.s32 s6;
	_ =	sdelay $0x1  }
0xa3: {  	s23 =	simm.s32 $0x1B8B  }
0xa4: {  	_ =	swait.ge [sflag:s23], $0x1  }
0xa5: {  	[sflag:s23] =	ssyncset.done $0x0  }
0xa6: {  	s25 =	simm.s32 $0x1B8E;
	s24 =	sld [smem:$0x3FFE];
	[sflag:s23] =	ssyncadd.s32 $0xFFFFFFFF  }
0xa7: {  	s26 =	simm.s32 $execute0_lowered;
	[smem:$0x3FD2] =	sst s25  }
0xa8: {  	s7 =	sshll.u32 s26, $0x1;
	_ =	strace $0x80000046;
	[dreg:$0x1] =	wrdreg $0xFFFFFFFF  }
0xa9: {  	s28 =	simm.s32 $_size_execute0_lowered;
	s5 =	sadd.s32 s5, s7;
	[dreg:$0x0] =	wrdreg $0x0  }
0xaa: {  	s7 =	sshll.u32 s28, $0x1;
	[dreg:$0x2] =	wrdreg s5  }
0xab: {  	[dreg:$0x3] =	wrdreg s7  }
0xac: {  	[dreg:$0x4] =	wrdreg $0xC0  }
0xad: {  	_ =	task [dreg:s9], $0x5FFFF  }
0xae: {  	[dreg:$0x1] =	wrdreg $0xFFFFFFFF  }
0xaf: {  	[dreg:$0x0] =	wrdreg $0x60  }
0xb0: {  	[dreg:$0x2] =	wrdreg s2  }
0xb1: {  	[dreg:$0x3] =	wrdreg s18  }
0xb2: {  	[dreg:$0x4] =	wrdreg s24  }
0xb3: {  	[dreg:$0x5] =	wrdreg s4  }
0xb4: {  	[dreg:$0x6] =	wrdreg $0x9  }
0xb5: {  	_ =	task.clear_ibuf [dreg:s9], $0x7FFFF;
	_ =	strace $0x90000046  }
0xb6: {  	s29 =	simm.s32 $0x9;
	_ =	strace $0x80000048  }
0xb7: {  	_ =	swait.ge [sflag:s29], $0x1  }
0xb8: {  	[sflag:s29] =	ssyncadd.s32 $0xFFFFFFFF  }
0xb9: {  	_ =	strace $0x90000048  }
0xba: {  	_ =	sfence  }
0xbb: {  	s30 =	sld [smem:$0x0];
	_ =	sdelay $0x2  }
0xbc: {  	s31 =	sshll.u32 s1, $0xD;
	s1 =	sshrl.u32 s1, $0x2  }
0xbd: {  	s3 =	sand.u32 $0x4000, s31;
	s1 =	sadd.s32 s1, s30  }
0xbe: {  	s0 =	sor.u32 s3, s0;
	s1 =	sshll.u32 s1, $0x11  }
0xbf: {  	s0 =	sor.u32 s1, s0  }
0xc0: {  	s0 =	sadd.s32 $0x8F2B, s0  }
0xc1: {  	[sflag:s0] =	ssyncadd.remote.s32 $0x1  }
0xc2: {  	_ =	sfence.sel $0xFFFF  }
0xc3: {  	[dreg:$0x0] =	wrdreg $0xFFFFFFFF;
	(pc) =	sbr.abs _section_cstart, $3  }
0xc4: {  	[dreg:$0x1] =	wrdreg $0xFFFFFFFF  }
0xc5: {  	_ =	task.clear_ibuf [dreg:s9], $0x2FFFF;
	_ =	strace $0x9FFFFFFF  }
0xc6: {  	(tm) =	ssettm $0x7FFFFFFF  }
0xc7: {  	_ =	shalt  }
tec
execute0_lowered:
.L_overlay_start_1:
0x0: {  	(tag) =	ssettag $0x1  }
0x1: {  	s5 =	rddreg [dreg:$0x0]  }
0x2: {  	s1 =	rddreg [dreg:$0x1]  }
0x3: {  	s4 =	rddreg [dreg:$0x2]  }
0x4: {  	s6 =	rddreg [dreg:$0x3];
	s3 =	srdreg.scid  }
0x5: {  	s0 =	rddreg [dreg:$0x4];
	s2 =	stileid.u32;
	s11 =	simm.s32 $0x400  }
0x6: {  	s12 =	simm.s32 $0x1;
	s13 =	simm.s32 $0x200;
	s14 =	simm.s32 $0x1000  }
0x7: {  	s15 =	simm.s32 $0x20000;
	s16 =	simm.s32 $0x10200;
	s17 =	simm.s32 $0x0  }
0x8: {  	s7 =	sand.u32 $0x1, s3;
	s3 =	simm.s32 $0x0;
	s8 =	sshll.u32 s2, $0xA  }
0x9: {  	s4 =	sadd.s32 $0x400, s4;
	s9 =	sshll.u32 s7, $0x9;
	[smem:$0x7FF] =	sst s3  }
0xa: {  	v0 =	vlaneseq.u32;
	s7 =	ssub.s32 $0x2, s7;
	s8 =	sor.u32 s9, s8;
	_ =	strace $0x80000047  }
0xb: {  	v4 =	vmul.u32 $0x80, v0;
	s31 =	sshrl.u32 s7, $0x1;
	s9 =	simm.s32 $0x2;
	s10 =	sshrl.u32 s8, $0x3  }
0xc: {  	s7 =	ssub.s32 s7, s31;
	s6 =	sadd.s32 s6, s8;
	s8 =	simm.s32 $0x15200  }
0xd: {  	[tilespmem:$0x1FFF0] =	vst v4;
	s5 =	sadd.s32 s5, s10;
	s7 =	smax.u32 s7, $0x1;
	s10 =	simm.s32 $0x80  }
.LBB2_1:
0xe: {  	[tilespmem:s8], [sflag:$0x2] =	stream.linear.gather [hbm4b:s1+s3], $0x21, $0x38;
	[tilespmem:$0x15280] =	vst v63  }
0xf: {  	_ =	swait.ge [sflag:s9], $0x21  }
0x10: {  	[sflag:s9] =	ssyncset.done $0x0  }
0x11: {  	[sflag:s9] =	ssyncadd.s32 $0xFFFFFFDF  }
0x12: {  	[tilespmem:s3], [sflag:$0x2] =	stream.linear.gather [hbm4b:s5+s3], $0x200, $0x38;
	[tilespmem:$0x15280] =	vst v63  }
0x13: {  	_ =	swait.ge [sflag:s9], $0x200  }
0x14: {  	[sflag:s9] =	ssyncset.done $0x0  }
0x15: {  	[sflag:s9] =	ssyncadd.s32 $0xFFFFFE00  }
0x16: {  	v0 =	vld [tilespmem:s3+$0x0];
	_ =	sdelay $0x4  }
0x17: {  	v0 =	vshll.u32 v0, $0x4  }
0x18: {  	(v2sf) =	vpush v0, $0x0;
	_ =	sdelay $0x1  }
0x19: {  	(v2sf) =	vpush v0, $0x1;
	_ =	sdelay $0x3  }
0x1a: {  	(v2sf) =	vpush v0, $0x2;
	_ =	sdelay $0x3  }
0x1b: {  	(v2sf) =	vpush v0, $0x3;
	_ =	sdelay $0x3  }
0x1c: {  	(v2sf) =	vpush v0, $0x4  }
0x1d: {  	s18 =	spop (v2sf)  }
0x1e: {  	s18 =	sand.u32 $0x1FFFFFF0, s18  }
0x1f: {  	s20 =	simm.s32 $0x200;
	s19 =	spop (v2sf);
	s18 =	sadd.s32 s4, s18  }
0x20: {  	(v2sf) =	vpush v0, $0x5;
	[tilespmem:s20], [sflag:$0x1] =	stream.strided.gather [hbm4b:s18+s10], $0x0, s11, s10, $0x38;
	[tilespmem:$0x15280] =	vst v63  }
0x21: {  	s19 =	sand.u32 $0x1FFFFFF0, s19  }
0x22: {  	[tilespmem:s20], [sflag:$0x1] =	stream.linear.gather [hbm4b:s18+s3], $0x21, $0x38;
	[tilespmem:$0x15280] =	vst v63  }
0x23: {  	s23 =	simm.s32 $0x280;
	s24 =	spop (v2sf);
	s19 =	sadd.s32 s4, s19  }
0x24: {  	(v2sf) =	vpush v0, $0x6;
	[tilespmem:s23], [sflag:$0x1] =	stream.strided.gather [hbm4b:s19+s10], $0x0, s11, s10, $0x38;
	[tilespmem:$0x15280] =	vst v63  }
0x25: {  	s20 =	sand.u32 $0x1FFFFFF0, s24  }
0x26: {  	[tilespmem:s23], [sflag:$0x1] =	stream.linear.gather [hbm4b:s19+s3], $0x21, $0x38;
	[tilespmem:$0x15280] =	vst v63  }
0x27: {  	s26 =	simm.s32 $0x300;
	s25 =	spop (v2sf);
	s20 =	sadd.s32 s4, s20  }
0x28: {  	(v2sf) =	vpush v0, $0x7;
	[tilespmem:s26], [sflag:$0x1] =	stream.strided.gather [hbm4b:s20+s10], $0x0, s11, s10, $0x38;
	[tilespmem:$0x15280] =	vst v63  }
0x29: {  	s18 =	sand.u32 $0x1FFFFFF0, s25  }
0x2a: {  	[tilespmem:s26], [sflag:$0x1] =	stream.linear.gather [hbm4b:s20+s3], $0x21, $0x38;
	[tilespmem:$0x15280] =	vst v63  }
0x2b: {  	s29 =	simm.s32 $0x380;
	s28 =	spop (v2sf);
	s18 =	sadd.s32 s4, s18  }
0x2c: {  	(v2sf) =	vpush v0, $0x8;
	[tilespmem:s29], [sflag:$0x1] =	stream.strided.gather [hbm4b:s18+s10], $0x0, s11, s10, $0x38;
	[tilespmem:$0x15280] =	vst v63  }
0x2d: {  	s19 =	sand.u32 $0x1FFFFFF0, s28  }
0x2e: {  	[tilespmem:s29], [sflag:$0x1] =	stream.linear.gather [hbm4b:s18+s3], $0x21, $0x38;
	[tilespmem:$0x15280] =	vst v63  }
0x2f: {  	s31 =	simm.s32 $0x400;
	s19 =	sadd.s32 s4, s19;
	s30 =	spop (v2sf)  }
0x30: {  	(v2sf) =	vpush v0, $0x9;
	[tilespmem:s31], [sflag:$0x1] =	stream.strided.gather [hbm4b:s19+s10], $0x0, s11, s10, $0x38;
	[tilespmem:$0x15280] =	vst v63  }
0x31: {  	s18 =	sand.u32 $0x1FFFFFF0, s30  }
0x32: {  	[tilespmem:s31], [sflag:$0x1] =	stream.linear.gather [hbm4b:s19+s3], $0x21, $0x38;
	[tilespmem:$0x15280] =	vst v63  }
0x33: {  	s22 =	simm.s32 $0x480;
	s21 =	spop (v2sf);
	s18 =	sadd.s32 s4, s18  }
0x34: {  	(v2sf) =	vpush v0, $0xA;
	[tilespmem:s22], [sflag:$0x1] =	stream.strided.gather [hbm4b:s18+s10], $0x0, s11, s10, $0x38;
	[tilespmem:$0x15280] =	vst v63  }
0x35: {  	s19 =	sand.u32 $0x1FFFFFF0, s21  }
0x36: {  	[tilespmem:s22], [sflag:$0x1] =	stream.linear.gather [hbm4b:s18+s3], $0x21, $0x38;
	[tilespmem:$0x15280] =	vst v63  }
0x37: {  	s24 =	simm.s32 $0x500;
	s23 =	spop (v2sf);
	s19 =	sadd.s32 s4, s19  }
0x38: {  	(v2sf) =	vpush v0, $0xB;
	[tilespmem:s24], [sflag:$0x1] =	stream.strided.gather [hbm4b:s19+s10], $0x0, s11, s10, $0x38;
	[tilespmem:$0x15280] =	vst v63  }
0x39: {  	s18 =	sand.u32 $0x1FFFFFF0, s23  }
0x3a: {  	[tilespmem:s24], [sflag:$0x1] =	stream.linear.gather [hbm4b:s19+s3], $0x21, $0x38;
	[tilespmem:$0x15280] =	vst v63  }
0x3b: {  	s26 =	simm.s32 $0x580;
	s25 =	spop (v2sf);
	s18 =	sadd.s32 s4, s18  }
0x3c: {  	(v2sf) =	vpush v0, $0xC;
	[tilespmem:s26], [sflag:$0x1] =	stream.strided.gather [hbm4b:s18+s10], $0x0, s11, s10, $0x38;
	[tilespmem:$0x15280] =	vst v63  }
0x3d: {  	s19 =	sand.u32 $0x1FFFFFF0, s25  }
0x3e: {  	[tilespmem:s26], [sflag:$0x1] =	stream.linear.gather [hbm4b:s18+s3], $0x21, $0x38;
	[tilespmem:$0x15280] =	vst v63  }
0x3f: {  	s29 =	simm.s32 $0x600;
	s28 =	spop (v2sf);
	s19 =	sadd.s32 s4, s19  }
0x40: {  	(v2sf) =	vpush v0, $0xD;
	[tilespmem:s29], [sflag:$0x1] =	stream.strided.gather [hbm4b:s19+s10], $0x0, s11, s10, $0x38;
	[tilespmem:$0x15280] =	vst v63  }
0x41: {  	s18 =	sand.u32 $0x1FFFFFF0, s28  }
0x42: {  	[tilespmem:s29], [sflag:$0x1] =	stream.linear.gather [hbm4b:s19+s3], $0x21, $0x38;
	[tilespmem:$0x15280] =	vst v63  }
0x43: {  	s31 =	simm.s32 $0x680;
	s30 =	spop (v2sf);
	s18 =	sadd.s32 s4, s18  }
0x44: {  	(v2sf) =	vpush v0, $0xE;
	[tilespmem:s31], [sflag:$0x1] =	stream.strided.gather [hbm4b:s18+s10], $0x0, s11, s10, $0x38;
	[tilespmem:$0x15280] =	vst v63  }
0x45: {  	s19 =	sand.u32 $0x1FFFFFF0, s30  }
0x46: {  	[tilespmem:s31], [sflag:$0x1] =	stream.linear.gather [hbm4b:s18+s3], $0x21, $0x38;
	[tilespmem:$0x15280] =	vst v63  }
0x47: {  	s22 =	simm.s32 $0x700;
	s21 =	spop (v2sf);
	s19 =	sadd.s32 s4, s19  }
0x48: {  	(v2sf) =	vpush v0, $0xF;
	[tilespmem:s22], [sflag:$0x1] =	stream.strided.gather [hbm4b:s19+s10], $0x0, s11, s10, $0x38;
	[tilespmem:$0x15280] =	vst v63  }
0x49: {  	s18 =	sand.u32 $0x1FFFFFF0, s21  }
0x4a: {  	[tilespmem:s22], [sflag:$0x1] =	stream.linear.gather [hbm4b:s19+s3], $0x21, $0x38;
	[tilespmem:$0x15280] =	vst v63  }
0x4b: {  	s24 =	simm.s32 $0x780;
	s23 =	spop (v2sf);
	s18 =	sadd.s32 s4, s18  }
0x4c: {  	[tilespmem:s24], [sflag:$0x1] =	stream.strided.gather [hbm4b:s18+s10], $0x0, s11, s10, $0x38;
	[tilespmem:$0x15280] =	vst v63  }
0x4d: {  	s19 =	sand.u32 $0x1FFFFFF0, s23  }
0x4e: {  	[tilespmem:s24], [sflag:$0x1] =	stream.linear.gather [hbm4b:s18+s3], $0x21, $0x38;
	[tilespmem:$0x15280] =	vst v63  }
0x4f: {  	s26 =	simm.s32 $0x800;
	s25 =	spop (v2sf);
	s19 =	sadd.s32 s4, s19  }
0x50: {  	[tilespmem:s26], [sflag:$0x1] =	stream.strided.gather [hbm4b:s19+s10], $0x0, s11, s10, $0x38;
	[tilespmem:$0x15280] =	vst v63  }
0x51: {  	s18 =	sand.u32 $0x1FFFFFF0, s25  }
0x52: {  	[tilespmem:s26], [sflag:$0x1] =	stream.linear.gather [hbm4b:s19+s3], $0x21, $0x38;
	[tilespmem:$0x15280] =	vst v63  }
0x53: {  	s29 =	simm.s32 $0x880;
	s28 =	spop (v2sf);
	s18 =	sadd.s32 s4, s18  }
0x54: {  	[tilespmem:s29], [sflag:$0x1] =	stream.strided.gather [hbm4b:s18+s10], $0x0, s11, s10, $0x38;
	[tilespmem:$0x15280] =	vst v63  }
0x55: {  	s19 =	sand.u32 $0x1FFFFFF0, s28  }
0x56: {  	[tilespmem:s29], [sflag:$0x1] =	stream.linear.gather [hbm4b:s18+s3], $0x21, $0x38;
	[tilespmem:$0x15280] =	vst v63  }
0x57: {  	s31 =	simm.s32 $0x900;
	s30 =	spop (v2sf);
	s19 =	sadd.s32 s4, s19  }
0x58: {  	[tilespmem:s31], [sflag:$0x1] =	stream.strided.gather [hbm4b:s19+s10], $0x0, s11, s10, $0x38;
	[tilespmem:$0x15280] =	vst v63  }
0x59: {  	s20 =	simm.s32 $0x980;
	s18 =	sand.u32 $0x1FFFFFF0, s30  }
0x5a: {  	[tilespmem:s31], [sflag:$0x1] =	stream.linear.gather [hbm4b:s19+s3], $0x21, $0x38;
	[tilespmem:$0x15280] =	vst v63  }
0x5b: {  	s21 =	sadd.s32 s4, s18;
	s18 =	simm.s32 $0x2000;
	s19 =	simm.s32 $0x0  }
0x5c: {  	[tilespmem:s20], [sflag:$0x1] =	stream.strided.gather [hbm4b:s21+s10], $0x0, s11, s10, $0x38;
	[tilespmem:$0x15280] =	vst v63  }
.LBB2_2:
0x5d: {  	p0 =	sne.s32 s18, $0x3E000  }
0x5e: {  	s19 =	sadd.s32 $0x10, s19;
	s22 =	smov.u32 s18;
	s18 =	sadd.s32 $0x2000, s18  }
0x5f: {  	[tilespmem:s20], [sflag:$0x1] =	stream.linear.gather [hbm4b:s21+s3], $0x21, $0x38;
	[tilespmem:$0x15280] =	vst v63  }
0x60: {  	v0 =	vld [tilespmem:s19+$0x0];
	_ =	sdelay $0x4  }
0x61: {  	v0 =	vshll.u32 v0, $0x4  }
0x62: {  	(v2sf) =	vpush v0, $0x0  }
0x63: {  	(v2sf) =	vpush v0, $0x1  }
0x64: {  	(v2sf) =	vpush v0, $0x2;
	_ =	sdelay $0x2  }
0x65: {  	(v2sf) =	vpush v0, $0x3;
	_ =	sdelay $0x1  }
0x66: {  	(v2sf) =	vpush v0, $0x4;
	_ =	sdelay $0x1  }
0x67: {  	(v2sf) =	vpush v0, $0x5;
	_ =	sdelay $0x1  }
0x68: {  	(v2sf) =	vpush v0, $0x6;
	_ =	sdelay $0x1  }
0x69: {  	(v2sf) =	vpush v0, $0x7;
	_ =	sdelay $0x1  }
0x6a: {  	s21 =	spop (v2sf);
	(v2sf) =	vpush v0, $0x8  }
0x6b: {  	s20 =	sshra.s32 s22, $0x2;
	s21 =	sand.u32 $0x1FFFFFF0, s21;
	s22 =	spop (v2sf)  }
0x6c: {  	s23 =	sadd.s32 $0x280, s20;
	s21 =	sadd.s32 s4, s21;
	s24 =	spop (v2sf);
	(v2sf) =	vpush v0, $0x9  }
0x6d: {  	s25 =	sadd.s32 $0x200, s20;
	s22 =	sand.u32 $0x1FFFFFF0, s22;
	s24 =	sand.u32 $0x1FFFFFF0, s24  }
0x6e: {  	[tilespmem:s25], [sflag:$0x1] =	stream.strided.gather [hbm4b:s21+s10], $0x0, s11, s10, $0x38;
	(v2sf) =	vpush v0, $0xA;
	[tilespmem:$0x15280] =	vst v63  }
0x6f: {  	s26 =	spop (v2sf)  }
0x70: {  	[tilespmem:s25], [sflag:$0x1] =	stream.linear.gather [hbm4b:s21+s3], $0x21, $0x38;
	(v2sf) =	vpush v0, $0xB;
	[tilespmem:$0x15280] =	vst v63  }
0x71: {  	s21 =	sadd.s32 s4, s22;
	s22 =	sand.u32 $0x1FFFFFF0, s26;
	s25 =	spop (v2sf)  }
0x72: {  	[tilespmem:s23], [sflag:$0x1] =	stream.strided.gather [hbm4b:s21+s10], $0x0, s11, s10, $0x38;
	(v2sf) =	vpush v0, $0xC;
	[tilespmem:$0x15280] =	vst v63  }
0x73: {  	s26 =	sadd.s32 $0x300, s20;
	s25 =	sand.u32 $0x1FFFFFF0, s25;
	s28 =	spop (v2sf)  }
0x74: {  	[tilespmem:s23], [sflag:$0x1] =	stream.linear.gather [hbm4b:s21+s3], $0x21, $0x38;
	[tilespmem:$0x15280] =	vst v63  }
0x75: {  	s21 =	sadd.s32 s4, s24;
	s23 =	sand.u32 $0x1FFFFFF0, s28;
	s24 =	spop (v2sf)  }
0x76: {  	[tilespmem:s26], [sflag:$0x1] =	stream.strided.gather [hbm4b:s21+s10], $0x0, s11, s10, $0x38;
	(v2sf) =	vpush v0, $0xD;
	[tilespmem:$0x15280] =	vst v63  }
0x77: {  	s28 =	sadd.s32 $0x380, s20;
	s24 =	sand.u32 $0x1FFFFFF0, s24;
	s29 =	spop (v2sf)  }
0x78: {  	[tilespmem:s26], [sflag:$0x1] =	stream.linear.gather [hbm4b:s21+s3], $0x21, $0x38;
	[tilespmem:$0x15280] =	vst v63  }
0x79: {  	s21 =	sadd.s32 s4, s22;
	s22 =	sand.u32 $0x1FFFFFF0, s29;
	s26 =	spop (v2sf)  }
0x7a: {  	[tilespmem:s28], [sflag:$0x1] =	stream.strided.gather [hbm4b:s21+s10], $0x0, s11, s10, $0x38;
	(v2sf) =	vpush v0, $0xE;
	[tilespmem:$0x15280] =	vst v63  }
0x7b: {  	s29 =	sadd.s32 $0x400, s20;
	s26 =	sand.u32 $0x1FFFFFF0, s26;
	s30 =	spop (v2sf)  }
0x7c: {  	[tilespmem:s28], [sflag:$0x1] =	stream.linear.gather [hbm4b:s21+s3], $0x21, $0x38;
	[tilespmem:$0x15280] =	vst v63  }
0x7d: {  	s21 =	sadd.s32 s4, s25;
	s25 =	sand.u32 $0x1FFFFFF0, s30;
	s28 =	spop (v2sf)  }
0x7e: {  	[tilespmem:s29], [sflag:$0x1] =	stream.strided.gather [hbm4b:s21+s10], $0x0, s11, s10, $0x38;
	(v2sf) =	vpush v0, $0xF;
	[tilespmem:$0x15280] =	vst v63  }
0x7f: {  	s30 =	sadd.s32 $0x480, s20;
	s28 =	sand.u32 $0x1FFFFFF0, s28;
	s31 =	spop (v2sf)  }
0x80: {  	[tilespmem:s29], [sflag:$0x1] =	stream.linear.gather [hbm4b:s21+s3], $0x21, $0x38;
	[tilespmem:$0x15280] =	vst v63  }
0x81: {  	s21 =	sadd.s32 s4, s23;
	s23 =	sand.u32 $0x1FFFFFF0, s31;
	s29 =	spop (v2sf)  }
0x82: {  	[tilespmem:s30], [sflag:$0x1] =	stream.strided.gather [hbm4b:s21+s10], $0x0, s11, s10, $0x38;
	[tilespmem:$0x15280] =	vst v63  }
0x83: {  	s24 =	sadd.s32 s4, s24;
	s31 =	sadd.s32 $0x500, s20;
	s29 =	sand.u32 $0x1FFFFFF0, s29  }
0x84: {  	[tilespmem:s30], [sflag:$0x1] =	stream.linear.gather [hbm4b:s21+s3], $0x21, $0x38;
	[tilespmem:$0x15280] =	vst v63  }
0x85: {  	s21 =	spop (v2sf)  }
0x86: {  	[tilespmem:s31], [sflag:$0x1] =	stream.strided.gather [hbm4b:s24+s10], $0x0, s11, s10, $0x38;
	[tilespmem:$0x15280] =	vst v63  }
0x87: {  	s22 =	sadd.s32 s4, s22;
	s30 =	sadd.s32 $0x580, s20;
	s21 =	sand.u32 $0x1FFFFFF0, s21  }
0x88: {  	[tilespmem:s31], [sflag:$0x1] =	stream.linear.gather [hbm4b:s24+s3], $0x21, $0x38;
	[tilespmem:$0x15280] =	vst v63  }
0x89: {  	s24 =	spop (v2sf)  }
0x8a: {  	[tilespmem:s30], [sflag:$0x1] =	stream.strided.gather [hbm4b:s22+s10], $0x0, s11, s10, $0x38;
	[tilespmem:$0x15280] =	vst v63  }
0x8b: {  	s26 =	sadd.s32 s4, s26;
	s31 =	sadd.s32 $0x600, s20;
	s24 =	sand.u32 $0x1FFFFFF0, s24  }
0x8c: {  	[tilespmem:s30], [sflag:$0x1] =	stream.linear.gather [hbm4b:s22+s3], $0x21, $0x38;
	[tilespmem:$0x15280] =	vst v63  }
0x8d: {  	s22 =	spop (v2sf)  }
0x8e: {  	[tilespmem:s31], [sflag:$0x1] =	stream.strided.gather [hbm4b:s26+s10], $0x0, s11, s10, $0x38;
	[tilespmem:$0x15280] =	vst v63  }
0x8f: {  	s25 =	sadd.s32 s4, s25;
	s30 =	sadd.s32 $0x680, s20;
	s22 =	sand.u32 $0x1FFFFFF0, s22  }
0x90: {  	[tilespmem:s31], [sflag:$0x1] =	stream.linear.gather [hbm4b:s26+s3], $0x21, $0x38;
	[tilespmem:$0x15280] =	vst v63  }
0x91: {  	_ = 	snop  }
0x92: {  	[tilespmem:s30], [sflag:$0x1] =	stream.strided.gather [hbm4b:s25+s10], $0x0, s11, s10, $0x38;
	[tilespmem:$0x15280] =	vst v63  }
0x93: {  	s28 =	sadd.s32 s4, s28;
	s26 =	sadd.s32 $0x700, s20  }
0x94: {  	[tilespmem:s30], [sflag:$0x1] =	stream.linear.gather [hbm4b:s25+s3], $0x21, $0x38;
	[tilespmem:$0x15280] =	vst v63  }
0x95: {  	_ = 	snop  }
0x96: {  	[tilespmem:s26], [sflag:$0x1] =	stream.strided.gather [hbm4b:s28+s10], $0x0, s11, s10, $0x38;
	[tilespmem:$0x15280] =	vst v63  }
0x97: {  	s23 =	sadd.s32 s4, s23;
	s25 =	sadd.s32 $0x780, s20  }
0x98: {  	[tilespmem:s26], [sflag:$0x1] =	stream.linear.gather [hbm4b:s28+s3], $0x21, $0x38;
	[tilespmem:$0x15280] =	vst v63  }
0x99: {  	_ = 	snop  }
0x9a: {  	[tilespmem:s25], [sflag:$0x1] =	stream.strided.gather [hbm4b:s23+s10], $0x0, s11, s10, $0x38;
	[tilespmem:$0x15280] =	vst v63  }
0x9b: {  	s26 =	sadd.s32 $0x800, s20;
	s28 =	sadd.s32 s4, s29  }
0x9c: {  	[tilespmem:s25], [sflag:$0x1] =	stream.linear.gather [hbm4b:s23+s3], $0x21, $0x38;
	[tilespmem:$0x15280] =	vst v63  }
0x9d: {  	_ = 	snop  }
0x9e: {  	[tilespmem:s26], [sflag:$0x1] =	stream.strided.gather [hbm4b:s28+s10], $0x0, s11, s10, $0x38;
	[tilespmem:$0x15280] =	vst v63  }
0x9f: {  	s21 =	sadd.s32 s4, s21;
	s23 =	sadd.s32 $0x880, s20  }
0xa0: {  	[tilespmem:s26], [sflag:$0x1] =	stream.linear.gather [hbm4b:s28+s3], $0x21, $0x38;
	[tilespmem:$0x15280] =	vst v63  }
0xa1: {  	_ = 	snop  }
0xa2: {  	[tilespmem:s23], [sflag:$0x1] =	stream.strided.gather [hbm4b:s21+s10], $0x0, s11, s10, $0x38;
	[tilespmem:$0x15280] =	vst v63  }
0xa3: {  	s24 =	sadd.s32 s4, s24;
	s25 =	sadd.s32 $0x900, s20  }
0xa4: {  	[tilespmem:s23], [sflag:$0x1] =	stream.linear.gather [hbm4b:s21+s3], $0x21, $0x38;
	[tilespmem:$0x15280] =	vst v63  }
0xa5: {  	_ = 	snop  }
0xa6: {  	[tilespmem:s25], [sflag:$0x1] =	stream.strided.gather [hbm4b:s24+s10], $0x0, s11, s10, $0x38;
	[tilespmem:$0x15280] =	vst v63  }
.Ltmp0:
0xa7: {  	_ = 	snop;
	(pc) =	sbr.rel @p0 .LBB2_2-.Ltmp0, $4  }
0xa8: {  	s20 =	sadd.s32 $0x980, s20;
	s21 =	sadd.s32 s4, s22  }
0xa9: {  	[tilespmem:s25], [sflag:$0x1] =	stream.linear.gather [hbm4b:s24+s3], $0x21, $0x38;
	[tilespmem:$0x15280] =	vst v63  }
0xaa: {  	_ = 	snop  }
0xab: {  	[tilespmem:s20], [sflag:$0x1] =	stream.strided.gather [hbm4b:s21+s10], $0x0, s11, s10, $0x38;
	[tilespmem:$0x15280] =	vst v63  }
0xac: {  	[tilespmem:s20], [sflag:$0x1] =	stream.linear.gather [hbm4b:s21+s3], $0x21, $0x38;
	[tilespmem:$0x15280] =	vst v63  }
0xad: {  	v2 =	vld [tilespmem:$0x15200]  }
0xae: {  	v0 =	vld [tilespmem:$0x15210]  }
0xaf: {  	v1 =	vld [tilespmem:$0x15220];
	_ =	swait.ge [sflag:s12], $0x21  }
0xb0: {  	[sflag:s12] =	ssyncset.done $0x0  }
0xb1: {  	[sflag:s12] =	ssyncadd.s32 $0xFFFFFFDF  }
0xb2: {  	_ =	swait.ge [sflag:s12], $0x21  }
0xb3: {  	[sflag:s12] =	ssyncset.done $0x0  }
0xb4: {  	[sflag:s12] =	ssyncadd.s32 $0xFFFFFFDF  }
0xb5: {  	_ =	swait.ge [sflag:s12], $0x21  }
0xb6: {  	[sflag:s12] =	ssyncset.done $0x0  }
0xb7: {  	[sflag:s12] =	ssyncadd.s32 $0xFFFFFFDF  }
0xb8: {  	_ =	swait.ge [sflag:s12], $0x21  }
0xb9: {  	[sflag:s12] =	ssyncset.done $0x0  }
0xba: {  	[sflag:s12] =	ssyncadd.s32 $0xFFFFFFDF  }
0xbb: {  	_ =	swait.ge [sflag:s12], $0x21  }
0xbc: {  	[sflag:s12] =	ssyncset.done $0x0  }
0xbd: {  	[sflag:s12] =	ssyncadd.s32 $0xFFFFFFDF  }
0xbe: {  	_ =	swait.ge [sflag:s12], $0x21  }
0xbf: {  	[sflag:s12] =	ssyncset.done $0x0  }
0xc0: {  	[sflag:s12] =	ssyncadd.s32 $0xFFFFFFDF  }
0xc1: {  	_ =	swait.ge [sflag:s12], $0x21  }
0xc2: {  	[sflag:s12] =	ssyncset.done $0x0  }
0xc3: {  	[sflag:s12] =	ssyncadd.s32 $0xFFFFFFDF  }
0xc4: {  	_ =	swait.ge [sflag:s12], $0x21  }
0xc5: {  	s18 =	simm.s32 $0x3F;
	[sflag:s12] =	ssyncset.done $0x0  }
.LBB2_4:
0xc6: {  	p0 =	seq.s32 s18, $0x1;
	s18 =	sadd.s32 $0xFFFFFFFF, s18;
	[sflag:s12] =	ssyncadd.s32 $0xFFFFFFDF  }
0xc7: {  	_ =	swait.ge [sflag:s12], $0x21  }
0xc8: {  	[sflag:s12] =	ssyncset.done $0x0  }
0xc9: {  	[sflag:s12] =	ssyncadd.s32 $0xFFFFFFDF  }
0xca: {  	_ =	swait.ge [sflag:s12], $0x21  }
0xcb: {  	[sflag:s12] =	ssyncset.done $0x0  }
0xcc: {  	[sflag:s12] =	ssyncadd.s32 $0xFFFFFFDF  }
0xcd: {  	_ =	swait.ge [sflag:s12], $0x21  }
0xce: {  	[sflag:s12] =	ssyncset.done $0x0  }
0xcf: {  	[sflag:s12] =	ssyncadd.s32 $0xFFFFFFDF  }
0xd0: {  	_ =	swait.ge [sflag:s12], $0x21  }
0xd1: {  	[sflag:s12] =	ssyncset.done $0x0  }
0xd2: {  	[sflag:s12] =	ssyncadd.s32 $0xFFFFFFDF  }
0xd3: {  	_ =	swait.ge [sflag:s12], $0x21  }
0xd4: {  	[sflag:s12] =	ssyncset.done $0x0  }
0xd5: {  	[sflag:s12] =	ssyncadd.s32 $0xFFFFFFDF  }
0xd6: {  	_ =	swait.ge [sflag:s12], $0x21  }
0xd7: {  	[sflag:s12] =	ssyncset.done $0x0  }
0xd8: {  	[sflag:s12] =	ssyncadd.s32 $0xFFFFFFDF  }
.Ltmp1:
0xd9: {  	_ =	swait.ge [sflag:s12], $0x21;
	(pc) =	sbr.rel @!p0 .LBB2_4-.Ltmp1, $4  }
0xda: {  	[sflag:s12] =	ssyncset.done $0x0  }
0xdb: {  	[sflag:s12] =	ssyncadd.s32 $0xFFFFFFDF  }
0xdc: {  	_ =	swait.ge [sflag:s12], $0x21  }
0xdd: {  	[sflag:s12] =	ssyncset.done $0x0  }
0xde: {  	v3 =	vbroadcast v2, $0x0;
	_ =	sdelay $0x1  }
0xdf: {  	[tilespmem:$0x1FDE0] =	vst v3;
	v3 =	vbroadcast v2, $0x1;
	_ =	sdelay $0x1  }
0xe0: {  	[tilespmem:$0x1FDF0] =	vst v3;
	v3 =	vbroadcast v2, $0x2;
	_ =	sdelay $0x1  }
0xe1: {  	[tilespmem:$0x1FE00] =	vst v3;
	v3 =	vbroadcast v2, $0x3;
	_ =	sdelay $0x1  }
0xe2: {  	[tilespmem:$0x1FE10] =	vst v3;
	v3 =	vbroadcast v2, $0x4;
	_ =	sdelay $0x1  }
0xe3: {  	[tilespmem:$0x1FE20] =	vst v3;
	v3 =	vbroadcast v2, $0x5;
	_ =	sdelay $0x1  }
0xe4: {  	[tilespmem:$0x1FE30] =	vst v3;
	v3 =	vbroadcast v2, $0x6;
	_ =	sdelay $0x1  }
0xe5: {  	[tilespmem:$0x1FE40] =	vst v3;
	v3 =	vbroadcast v2, $0x7;
	_ =	sdelay $0x1  }
0xe6: {  	[tilespmem:$0x1FE50] =	vst v3;
	v3 =	vbroadcast v2, $0x8;
	_ =	sdelay $0x1  }
0xe7: {  	[tilespmem:$0x1FE60] =	vst v3;
	v3 =	vbroadcast v2, $0x9;
	_ =	sdelay $0x1  }
0xe8: {  	[tilespmem:$0x1FE70] =	vst v3;
	v3 =	vbroadcast v2, $0xA;
	_ =	sdelay $0x1  }
0xe9: {  	[tilespmem:$0x1FE80] =	vst v3;
	v3 =	vbroadcast v2, $0xB;
	_ =	sdelay $0x1  }
0xea: {  	[tilespmem:$0x1FE90] =	vst v3;
	v3 =	vbroadcast v2, $0xC;
	_ =	sdelay $0x1  }
0xeb: {  	[tilespmem:$0x1FEA0] =	vst v3;
	v3 =	vbroadcast v2, $0xD;
	_ =	sdelay $0x1  }
0xec: {  	[tilespmem:$0x1FEB0] =	vst v3;
	v3 =	vbroadcast v2, $0xE;
	v2 =	vbroadcast v2, $0xF;
	_ =	sdelay $0x1  }
0xed: {  	[tilespmem:$0x1FED0] =	vst v2;
	v2 =	vbroadcast v0, $0x0;
	_ =	sdelay $0x1  }
0xee: {  	[tilespmem:$0x1FEE0] =	vst v2;
	v2 =	vbroadcast v0, $0x1;
	_ =	sdelay $0x1  }
0xef: {  	[tilespmem:$0x1FEF0] =	vst v2;
	v2 =	vbroadcast v0, $0x2;
	_ =	sdelay $0x1  }
0xf0: {  	[tilespmem:$0x1FF00] =	vst v2;
	v2 =	vbroadcast v0, $0x3;
	_ =	sdelay $0x1  }
0xf1: {  	[tilespmem:$0x1FF10] =	vst v2;
	v2 =	vbroadcast v0, $0x4;
	_ =	sdelay $0x1  }
0xf2: {  	[tilespmem:$0x1FF20] =	vst v2;
	v2 =	vbroadcast v0, $0x5;
	_ =	sdelay $0x1  }
0xf3: {  	[tilespmem:$0x1FF30] =	vst v2;
	v2 =	vbroadcast v0, $0x6;
	_ =	sdelay $0x1  }
0xf4: {  	[tilespmem:$0x1FF40] =	vst v2;
	v2 =	vbroadcast v0, $0x7;
	_ =	sdelay $0x1  }
0xf5: {  	[tilespmem:$0x1FF50] =	vst v2;
	v2 =	vbroadcast v0, $0x8;
	_ =	sdelay $0x1  }
0xf6: {  	[tilespmem:$0x1FF60] =	vst v2;
	v2 =	vbroadcast v0, $0x9;
	_ =	sdelay $0x1  }
0xf7: {  	[tilespmem:$0x1FF70] =	vst v2;
	v2 =	vbroadcast v0, $0xA;
	_ =	sdelay $0x1  }
0xf8: {  	[tilespmem:$0x1FF80] =	vst v2;
	v2 =	vbroadcast v0, $0xB;
	_ =	sdelay $0x1  }
0xf9: {  	[tilespmem:$0x1FF90] =	vst v2;
	v2 =	vbroadcast v0, $0xC;
	_ =	sdelay $0x1  }
0xfa: {  	[tilespmem:$0x1FFA0] =	vst v2;
	v2 =	vbroadcast v0, $0xD;
	_ =	sdelay $0x1  }
0xfb: {  	[tilespmem:$0x1FFB0] =	vst v2;
	v2 =	vbroadcast v0, $0xE;
	v0 =	vbroadcast v0, $0xF;
	_ =	sdelay $0x1  }
0xfc: {  	[tilespmem:$0x1FFD0] =	vst v0;
	v0 =	vbroadcast v1, $0x0  }
0xfd: {  	s18 =	simm.s32 $0x0  }
0xfe: {  	[tilespmem:$0x1FFE0] =	vst v0;
	v0 =	vmov s18  }
0xff: {  	v0 =	vshll.u32 v0, $0x7  }
0x100: {  	v28 =	vld [tilespmem:$0x1FDE0];
	v0 =	vor.u32 v4, v0  }
0x101: {  	v27 =	vld [tilespmem:$0x1FDF0];
	v1 =	vor.u32 $0x1, v0  }
0x102: {  	v30 =	vld [tilespmem:$0x1FE00];
	[tilespmem:$0x1FFC0] =	vst v2;
	v2 =	vor.u32 $0x2, v0  }
0x103: {  	v29 =	vld [tilespmem:$0x1FE10];
	[tilespmem:$0x1FEC0] =	vst v3;
	v3 =	vor.u32 $0x3, v0  }
0x104: {  	[sflag:s12] =	ssyncadd.s32 $0xFFFFFFDF;
	v33 =	vld [tilespmem:$0x1FE20]  }
0x105: {  	v7 =	vor.u32 $0x5, v0;
	v5 =	vld.idx.msk [tilespmem:v0+s13+$0x0], $0xffff  }
0x106: {  	v1 =	vld.idx.msk [tilespmem:v1+s13+$0x0], $0xffff  }
0x107: {  	v10 =	vor.u32 $0x8, v0;
	v2 =	vld.idx.msk [tilespmem:v2+s13+$0x0], $0xffff  }
0x108: {  	v4 =	vor.u32 $0x4, v0;
	v3 =	vld.idx.msk [tilespmem:v3+s13+$0x0], $0xffff  }
0x109: {  	v19 =	vld [tilespmem:$0x1FE30];
	v8 =	vor.u32 $0x6, v0  }
0x10a: {  	v7 =	vld.idx.msk [tilespmem:v7+s13+$0x0], $0xffff;
	v5 =	vadd.f32 v5, v28  }
0x10b: {  	v31 =	vld [tilespmem:$0x1FE60];
	v11 =	vor.u32 $0x9, v0;
	v1 =	vadd.f32 v1, v27  }
0x10c: {  	v10 =	vld.idx.msk [tilespmem:v10+s13+$0x0], $0xffff;
	v2 =	vadd.f32 v2, v30;
	v5 =	vmul.f32 $1.442695020e+00, v5  }
0x10d: {  	v4 =	vld.idx.msk [tilespmem:v4+s13+$0x0], $0xffff;
	v3 =	vadd.f32 v3, v29;
	v1 =	vmul.f32 $1.442695020e+00, v1  }
0x10e: {  	v9 =	vor.u32 $0x7, v0;
	v8 =	vld.idx.msk [tilespmem:v8+s13+$0x0], $0xffff;
	v2 =	vmul.f32 $1.442695020e+00, v2;
	(erf) = vpow2.f32 v5  }
0x10f: {  	v7 =	vadd.f32 v7, v19;
	v19 =	vld [tilespmem:$0x1FE40];
	v3 =	vmul.f32 $1.442695020e+00, v3;
	(erf) = vpow2.f32 v1  }
0x110: {  	v6 =	vor.u32 $0x20, v0;
	v12 =	vor.u32 $0xA, v0;
	v11 =	vld.idx.msk [tilespmem:v11+s13+$0x0], $0xffff;
	(erf) = vpow2.f32 v2  }
0x111: {  	v13 =	vor.u32 $0xB, v0;
	(erf) = vpow2.f32 v3;
	v3 =	vadd.f32 v10, v31;
	v10 =	vld [tilespmem:$0x1FE70]  }
0x112: {  	v14 =	vor.u32 $0xC, v0;
	v15 =	vor.u32 $0xD, v0;
	v4 =	vadd.f32 v4, v33  }
0x113: {  	v32 =	vld [tilespmem:$0x1FE50];
	v16 =	vor.u32 $0xE, v0;
	v17 =	vor.u32 $0xF, v0;
	v18 =	vor.u32 $0x10, v0  }
0x114: {  	v34 =	vor.u32 $0x11, v0;
	v9 =	vld.idx.msk [tilespmem:v9+s13+$0x0], $0xffff;
	v4 =	vmul.f32 $1.442695020e+00, v4;
	v8 =	vadd.f32 v8, v19  }
0x115: {  	v35 =	vor.u32 $0x12, v0;
	v36 =	vor.u32 $0x13, v0;
	v7 =	vmul.f32 $1.442695020e+00, v7  }
0x116: {  	v5 =	vmul.f32 $1.442695020e+00, v8;
	(erf) = vpow2.f32 v4;
	v10 =	vadd.f32 v11, v10  }
0x117: {  	v37 =	vor.u32 $0x14, v0;
	v38 =	vor.u32 $0x15, v0;
	v1 =	vld.idx.msk [tilespmem:v13+s13+$0x0], $0xffff;
	(erf) = vpow2.f32 v7  }
0x118: {  	v39 =	vor.u32 $0x16, v0;
	(erf) = vpow2.f32 v5;
	v5 =	vmul.f32 $1.442695020e+00, v10;
	v10 =	vld [tilespmem:$0x1FE90]  }
0x119: {  	v40 =	vor.u32 $0x17, v0;
	v41 =	vor.u32 $0x18, v0;
	v9 =	vadd.f32 v9, v32;
	v2 =	vld.idx.msk [tilespmem:v14+s13+$0x0], $0xffff  }
0x11a: {  	v42 =	vor.u32 $0x19, v0;
	v43 =	vor.u32 $0x1A, v0;
	v44 =	vor.u32 $0x1B, v0;
	v8 =	vld.idx.msk [tilespmem:v12+s13+$0x0], $0xffff  }
0x11b: {  	v45 =	vor.u32 $0x1D, v0;
	v9 =	vmul.f32 $1.442695020e+00, v9;
	v13 =	vor.u32 $0x1E, v0;
	v11 =	vld [tilespmem:$0x1FE80]  }
0x11c: {  	v14 =	vor.u32 $0x1F, v0;
	v12 =	vor.u32 $0x1C, v0;
	v0 =	vld.idx.msk [tilespmem:v15+s13+$0x0], $0xffff;
	v3 =	vmul.f32 $1.442695020e+00, v3  }
0x11d: {  	(erf) = vpow2.f32 v9;
	v1 =	vadd.f32 v1, v10;
	v10 =	vld [tilespmem:$0x1FEA0]  }
0x11e: {  	(erf) = vpow2.f32 v3;
	v3 =	vld [tilespmem:$0x1FEB0];
	_ =	sdelay $0x1  }
0x11f: {  	v8 =	vadd.f32 v8, v11;
	_ =	sdelay $0x1  }
0x120: {  	v8 =	vmul.f32 $1.442695020e+00, v8;
	v2 =	vadd.f32 v2, v10  }
0x121: {  	v4 =	vld.idx.msk [tilespmem:v16+s13+$0x0], $0xffff;
	(erf) = vpow2.f32 v5;
	v0 =	vadd.f32 v0, v3;
	v1 =	vmul.f32 $1.442695020e+00, v1  }
0x122: {  	v3 =	vld [tilespmem:$0x1FEC0];
	(erf) = vpow2.f32 v8;
	v2 =	vmul.f32 $1.442695020e+00, v2  }
0x123: {  	v0 =	vmul.f32 $1.442695020e+00, v0;
	(erf) = vpow2.f32 v1  }
0x124: {  	v15 =	vld.idx.msk [tilespmem:v36+s13+$0x0], $0xffff;
	v21 =	vpop (erf);
	(erf) = vpow2.f32 v2  }
0x125: {  	v22 =	vpop (erf);
	(erf) = vpow2.f32 v0;
	v0 =	vld [tilespmem:$0x1FF10]  }
0x126: {  	v7 =	vld.idx.msk [tilespmem:v17+s13+$0x0], $0xffff  }
0x127: {  	v4 =	vadd.f32 v4, v3;
	v3 =	vld [tilespmem:$0x1FED0]  }
0x128: {  	v59 =	vld.idx.msk [tilespmem:v40+s13+$0x0], $0xffff  }
0x129: {  	v16 =	vld.idx.msk [tilespmem:v37+s13+$0x0], $0xffff  }
0x12a: {  	v15 =	vadd.f32 v15, v0;
	v0 =	vld [tilespmem:$0x1FF20]  }
0x12b: {  	v11 =	vld.idx.msk [tilespmem:v18+s13+$0x0], $0xffff  }
0x12c: {  	v17 =	vadd.f32 v7, v3;
	v3 =	vld [tilespmem:$0x1FEE0]  }
0x12d: {  	v40 =	vld [tilespmem:$0x1FF00]  }
0x12e: {  	v18 =	vld.idx.msk [tilespmem:v38+s13+$0x0], $0xffff  }
0x12f: {  	v16 =	vadd.f32 v16, v0;
	v0 =	vld [tilespmem:$0x1FF30]  }
0x130: {  	v9 =	vld.idx.msk [tilespmem:v34+s13+$0x0], $0xffff  }
0x131: {  	v1 =	vmul.f32 $1.442695020e+00, v4;
	v4 =	vadd.f32 v11, v3;
	v11 =	vld.idx.msk [tilespmem:v39+s13+$0x0], $0xffff  }
0x132: {  	v39 =	vld [tilespmem:$0x1FEF0]  }
0x133: {  	v10 =	vld.idx.msk [tilespmem:v35+s13+$0x0], $0xffff  }
0x134: {  	v18 =	vadd.f32 v18, v0;
	v0 =	vld [tilespmem:$0x1FF40]  }
0x135: {  	v23 =	vpop (erf)  }
0x136: {  	v24 =	vpop (erf)  }
0x137: {  	v25 =	vpop (erf);
	v34 =	vadd.f32 v9, v39  }
0x138: {  	v26 =	vpop (erf);
	v17 =	vmul.f32 $1.442695020e+00, v17;
	v10 =	vadd.f32 v10, v40;
	(erf) = vpow2.f32 v1  }
0x139: {  	v4 =	vmul.f32 $1.442695020e+00, v4;
	v34 =	vmul.f32 $1.442695020e+00, v34;
	v11 =	vadd.f32 v11, v0;
	v0 =	vld [tilespmem:$0x1FF50]  }
0x13a: {  	v19 =	vpop (erf);
	(erf) = vpow2.f32 v17  }
0x13b: {  	v20 =	vpop (erf);
	v10 =	vmul.f32 $1.442695020e+00, v10;
	(erf) = vpow2.f32 v4  }
0x13c: {  	v60 =	vld.idx.msk [tilespmem:v41+s13+$0x0], $0xffff;
	v36 =	vpop (erf);
	(erf) = vpow2.f32 v34  }
0x13d: {  	v34 =	vpop (erf);
	(erf) = vpow2.f32 v10;
	v10 =	vld.idx.msk [tilespmem:v12+s13+$0x0], $0xffff  }
0x13e: {  	v12 =	vmul.f32 $1.442695020e+00, v18;
	v18 =	vadd.f32 v59, v0;
	v0 =	vld [tilespmem:$0x1FF60];
	_ =	sdelay $0x3  }
0x13f: {  	v17 =	vld.idx.msk [tilespmem:v42+s13+$0x0], $0xffff  }
0x140: {  	v37 =	vadd.f32 v60, v0;
	v0 =	vld [tilespmem:$0x1FF70];
	_ =	sdelay $0x3  }
0x141: {  	v4 =	vld.idx.msk [tilespmem:v43+s13+$0x0], $0xffff  }
0x142: {  	v17 =	vadd.f32 v17, v0;
	v0 =	vld [tilespmem:$0x1FF80];
	_ =	sdelay $0x4  }
0x143: {  	v4 =	vadd.f32 v4, v0;
	v0 =	vld [tilespmem:$0x1FFA0];
	_ =	sdelay $0x1  }
0x144: {  	v15 =	vmul.f32 $1.442695020e+00, v15;
	_ =	sdelay $0x1  }
0x145: {  	v35 =	vpop (erf);
	(erf) = vpow2.f32 v15;
	v15 =	vld.idx.msk [tilespmem:v45+s13+$0x0], $0xffff  }
0x146: {  	v10 =	vadd.f32 v10, v0;
	v0 =	vld [tilespmem:$0x1FFB0]  }
0x147: {  	v16 =	vmul.f32 $1.442695020e+00, v16  }
0x148: {  	v61 =	vld.idx.msk [tilespmem:v44+s13+$0x0], $0xffff  }
0x149: {  	v13 =	vld.idx.msk [tilespmem:v13+s13+$0x0], $0xffff;
	v54 =	vpop (erf);
	(erf) = vpow2.f32 v16  }
0x14a: {  	v55 =	vpop (erf);
	(erf) = vpow2.f32 v12;
	v12 =	vld.idx.msk [tilespmem:v14+s13+$0x0], $0xffff  }
0x14b: {  	v11 =	vmul.f32 $1.442695020e+00, v11;
	v15 =	vadd.f32 v15, v0;
	v0 =	vld [tilespmem:$0x1FFC0]  }
0x14c: {  	v16 =	vmul.f32 $1.442695020e+00, v18;
	v14 =	vmul.f32 $1.442695020e+00, v37;
	v37 =	vld [tilespmem:$0x1FF90]  }
0x14d: {  	v56 =	vpop (erf);
	(erf) = vpow2.f32 v11  }
0x14e: {  	v57 =	vpop (erf);
	(erf) = vpow2.f32 v16;
	v11 =	vmul.f32 $1.442695020e+00, v17  }
0x14f: {  	v2 =	vpop (erf);
	(erf) = vpow2.f32 v14  }
0x150: {  	v43 =	vpop (erf);
	(erf) = vpow2.f32 v11;
	v11 =	vadd.f32 v13, v0;
	v0 =	vld [tilespmem:$0x1FFD0]  }
0x151: {  	v17 =	vadd.f32 v61, v37  }
0x152: {  	v4 =	vmul.f32 $1.442695020e+00, v4  }
0x153: {  	v14 =	vmul.f32 $1.442695020e+00, v17  }
0x154: {  	v53 =	vpop (erf);
	(erf) = vpow2.f32 v4;
	v10 =	vmul.f32 $1.442695020e+00, v10  }
0x155: {  	v50 =	vpop (erf);
	(erf) = vpow2.f32 v14;
	v4 =	vmul.f32 $1.442695020e+00, v15;
	v12 =	vadd.f32 v12, v0  }
0x156: {  	v52 =	vpop (erf);
	(erf) = vpow2.f32 v10;
	v11 =	vmul.f32 $1.442695020e+00, v11  }
0x157: {  	v51 =	vpop (erf);
	(erf) = vpow2.f32 v4;
	v10 =	vmul.f32 $1.442695020e+00, v12  }
0x158: {  	v62 =	vpop (erf);
	(erf) = vpow2.f32 v11  }
0x159: {  	v8 =	vpop (erf);
	(erf) = vpow2.f32 v10  }
0x15a: {  	v6 =	vld.idx.msk [tilespmem:v6+s13+$0x0], $0xffff;
	v18 =	vadd.f32 v52, v50;
	v16 =	vadd.f32 v2, v57;
	v63 =	vpop (erf)  }
0x15b: {  	v58 =	vadd.f32 v62, v51;
	v17 =	vadd.f32 v53, v43;
	v9 =	vpop (erf);
	v0 =	vld [tilespmem:$0x1FFE0]  }
0x15c: {  	v59 =	vadd.f32 v63, v8;
	v14 =	vadd.f32 v54, v35;
	v3 =	vpop (erf)  }
0x15d: {  	v60 =	vadd.f32 v3, v9;
	v15 =	vadd.f32 v56, v55;
	v7 =	vpop (erf)  }
0x15e: {  	v1 =	vpop (erf);
	v13 =	vadd.f32 v34, v36;
	v11 =	vadd.f32 v26, v25  }
0x15f: {  	v45 =	vmov v2;
	v2 =	vpop (erf);
	v12 =	vadd.f32 v20, v19;
	v10 =	vadd.f32 v24, v23  }
0x160: {  	v5 =	vpop (erf);
	v4 =	vadd.f32 v6, v0;
	v6 =	vadd.f32 v22, v21  }
0x161: {  	v42 =	vmov v62;
	v61 =	vadd.f32 v1, v7;
	v62 =	vadd.f32 v5, v2;
	v0 =	vpop (erf)  }
0x162: {  	[tilespmem:$0x1FDA0] =	vst v1;
	v4 =	vmul.f32 $1.442695020e+00, v4;
	v6 =	vadd.f32 v10, v6;
	v10 =	vadd.f32 v12, v11;
	v1 =	vpop (erf)  }
0x163: {  	v47 =	vmov v63;
	v11 =	vadd.f32 v14, v13;
	[tilespmem:$0x1FDC0] =	vst v0;
	v63 =	vadd.f32 v1, v0;
	v0 =	vld [tilespmem:$0x1FFF0]  }
0x164: {  	v12 =	vadd.f32 v16, v15;
	v13 =	vadd.f32 v59, v58;
	(erf) = vpow2.f32 v4  }
0x165: {  	s19 =	simm.s32 $0x10;
	v14 =	vadd.f32 v61, v60;
	v4 =	vadd.f32 v18, v17  }
0x166: {  	v10 =	vadd.f32 v10, v6;
	v6 =	vmov s19;
	v15 =	vadd.f32 v63, v62  }
0x167: {  	v11 =	vadd.f32 v12, v11;
	v6 =	vshll.u32 v6, $0x7  }
0x168: {  	v4 =	vadd.f32 v13, v4;
	v12 =	vadd.f32 v15, v14;
	v6 =	vor.u32 v0, v6  }
0x169: {  	v10 =	vadd.f32 v11, v10;
	v11 =	vor.u32 $0x1, v6  }
0x16a: {  	v4 =	vadd.f32 v12, v4;
	v16 =	vor.u32 $0x5, v6  }
0x16b: {  	[tilespmem:$0x1FDB0] =	vst v5;
	v12 =	vor.u32 $0x2, v6  }
0x16c: {  	v49 =	vmov v8;
	v8 =	vld [tilespmem:$0x1FE30];
	[tilespmem:$0x1FDD0] =	vst v1;
	v13 =	vor.u32 $0x3, v6;
	v10 =	vadd.f32 v4, v10  }
0x16d: {  	v38 =	vpop (erf);
	v14 =	vor.u32 $0x4, v6;
	v15 =	vld.idx.msk [tilespmem:v6+s13+$0x0], $0xffff  }
0x16e: {  	v10 =	vadd.f32 v10, v38;
	v11 =	vld.idx.msk [tilespmem:v11+s13+$0x0], $0xffff  }
0x16f: {  	v17 =	vor.u32 $0x6, v6;
	v16 =	vld.idx.msk [tilespmem:v16+s13+$0x0], $0xffff  }
0x170: {  	(erf) = vrcp.f32 v10;
	v10 =	vld.idx.msk [tilespmem:v12+s13+$0x0], $0xffff  }
0x171: {  	v13 =	vld.idx.msk [tilespmem:v13+s13+$0x0], $0xffff  }
0x172: {  	v14 =	vld.idx.msk [tilespmem:v14+s13+$0x0], $0xffff  }
0x173: {  	v15 =	vadd.f32 v15, v28  }
0x174: {  	v17 =	vld.idx.msk [tilespmem:v17+s13+$0x0], $0xffff;
	v11 =	vadd.f32 v11, v27  }
0x175: {  	v16 =	vadd.f32 v16, v8;
	v8 =	vld [tilespmem:$0x1FE40];
	v10 =	vadd.f32 v10, v30;
	v15 =	vmul.f32 $1.442695020e+00, v15  }
0x176: {  	v59 =	vor.u32 $0x9, v6;
	v13 =	vadd.f32 v13, v29;
	v11 =	vmul.f32 $1.442695020e+00, v11  }
0x177: {  	v14 =	vadd.f32 v14, v33;
	v10 =	vmul.f32 $1.442695020e+00, v10;
	(erf) = vpow2.f32 v15  }
0x178: {  	v13 =	vmul.f32 $1.442695020e+00, v13;
	(erf) = vpow2.f32 v11  }
0x179: {  	v14 =	vmul.f32 $1.442695020e+00, v14;
	(erf) = vpow2.f32 v10  }
0x17a: {  	v60 =	vor.u32 $0xA, v6;
	v17 =	vadd.f32 v17, v8;
	v8 =	vld [tilespmem:$0x1FE70];
	(erf) = vpow2.f32 v13  }
0x17b: {  	(erf) = vpow2.f32 v14;
	v14 =	vld.idx.msk [tilespmem:v59+s13+$0x0], $0xffff;
	_ =	sdelay $0x2  }
0x17c: {  	v18 =	vor.u32 $0x7, v6  }
0x17d: {  	v61 =	vor.u32 $0xB, v6;
	v59 =	vld.idx.msk [tilespmem:v60+s13+$0x0], $0xffff  }
0x17e: {  	v14 =	vadd.f32 v14, v8;
	v8 =	vld [tilespmem:$0x1FE80];
	_ =	sdelay $0x2  }
0x17f: {  	v18 =	vld.idx.msk [tilespmem:v18+s13+$0x0], $0xffff  }
0x180: {  	v62 =	vor.u32 $0xC, v6;
	v60 =	vld.idx.msk [tilespmem:v61+s13+$0x0], $0xffff  }
0x181: {  	v59 =	vadd.f32 v59, v8;
	v8 =	vld [tilespmem:$0x1FE90];
	_ =	sdelay $0x3  }
0x182: {  	v63 =	vor.u32 $0xD, v6;
	v18 =	vadd.f32 v18, v32;
	v32 =	vld.idx.msk [tilespmem:v62+s13+$0x0], $0xffff  }
0x183: {  	v60 =	vadd.f32 v60, v8;
	v8 =	vld [tilespmem:$0x1FEA0];
	_ =	sdelay $0x2  }
0x184: {  	v12 =	vor.u32 $0x8, v6  }
0x185: {  	v0 =	vor.u32 $0xE, v6;
	v62 =	vld.idx.msk [tilespmem:v63+s13+$0x0], $0xffff  }
0x186: {  	v61 =	vadd.f32 v32, v8;
	v8 =	vld [tilespmem:$0x1FEB0];
	_ =	sdelay $0x2  }
0x187: {  	v12 =	vld.idx.msk [tilespmem:v12+s13+$0x0], $0xffff  }
0x188: {  	v1 =	vor.u32 $0xF, v6;
	v0 =	vld.idx.msk [tilespmem:v0+s13+$0x0], $0xffff  }
0x189: {  	v48 =	vmov v7;
	v7 =	vor.u32 $0x14, v6;
	v62 =	vadd.f32 v62, v8;
	v8 =	vld [tilespmem:$0x1FEC0];
	_ =	sdelay $0x1  }
0x18a: {  	v16 =	vmul.f32 $1.442695020e+00, v16  }
0x18b: {  	v12 =	vadd.f32 v12, v31;
	v17 =	vmul.f32 $1.442695020e+00, v17  }
0x18c: {  	v1 =	vld.idx.msk [tilespmem:v1+s13+$0x0], $0xffff;
	v18 =	vmul.f32 $1.442695020e+00, v18;
	(erf) = vpow2.f32 v16  }
0x18d: {  	v12 =	vmul.f32 $1.442695020e+00, v12;
	(erf) = vpow2.f32 v17;
	v0 =	vadd.f32 v0, v8;
	v8 =	vld.idx.msk [tilespmem:v7+s13+$0x0], $0xffff  }
0x18e: {  	v44 =	vmovc v2;
	v2 =	vor.u32 $0x10, v6;
	(erf) = vpow2.f32 v18;
	v14 =	vmul.f32 $1.442695020e+00, v14;
	v7 =	vld [tilespmem:$0x1FED0]  }
0x18f: {  	(erf) = vpow2.f32 v12  }
0x190: {  	v46 =	vmovc v3;
	v3 =	vor.u32 $0x11, v6;
	(erf) = vpow2.f32 v14;
	v59 =	vmul.f32 $1.442695020e+00, v59  }
0x191: {  	v5 =	vor.u32 $0x13, v6;
	v32 =	vmul.f32 $1.442695020e+00, v60;
	v61 =	vmul.f32 $1.442695020e+00, v61  }
0x192: {  	v58 =	vpop (erf);
	(erf) = vpow2.f32 v59;
	v62 =	vmul.f32 $1.442695020e+00, v62  }
0x193: {  	v2 =	vld.idx.msk [tilespmem:v2+s13+$0x0], $0xffff;
	v60 =	vpop (erf);
	(erf) = vpow2.f32 v32;
	v1 =	vadd.f32 v1, v7  }
0x194: {  	v59 =	vpop (erf);
	(erf) = vpow2.f32 v61;
	v0 =	vmul.f32 $1.442695020e+00, v0;
	v7 =	vld [tilespmem:$0x1FEE0]  }
0x195: {  	v3 =	vld.idx.msk [tilespmem:v3+s13+$0x0], $0xffff;
	v61 =	vpop (erf);
	(erf) = vpow2.f32 v62;
	v1 =	vmul.f32 $1.442695020e+00, v1  }
0x196: {  	v4 =	vor.u32 $0x12, v6;
	v5 =	vld.idx.msk [tilespmem:v5+s13+$0x0], $0xffff;
	v62 =	vpop (erf);
	(erf) = vpow2.f32 v0  }
0x197: {  	v41 =	vmov v9;
	v9 =	vor.u32 $0x15, v6;
	v63 =	vpop (erf);
	(erf) = vpow2.f32 v1;
	v1 =	vld [tilespmem:$0x1FF10];
	_ =	sdelay $0x1  }
0x198: {  	v2 =	vadd.f32 v2, v7  }
0x199: {  	s20 =	sand.u32 $0x70, s18;
	s21 =	sand.u32 $0xC00, s18;
	v3 =	vadd.f32 v3, v39;
	v10 =	vmul.f32 v58, v21  }
0x19a: {  	s20 =	sor.u32 s20, s21;
	v4 =	vld.idx.msk [tilespmem:v4+s13+$0x0], $0xffff;
	v33 =	vmul.f32 v58, v22;
	v2 =	vmul.f32 $1.442695020e+00, v2  }
0x19b: {  	v9 =	vld.idx.msk [tilespmem:v9+s13+$0x0], $0xffff;
	v3 =	vmul.f32 $1.442695020e+00, v3;
	[tilespmem:s20+$0x10200] =	vst v10;
	v5 =	vadd.f32 v5, v1  }
0x19c: {  	v15 =	vor.u32 $0x16, v6;
	(erf) = vpow2.f32 v2;
	v2 =	vld [tilespmem:$0x1FF20];
	[tilespmem:s20+$0x10280] =	vst v33  }
0x19d: {  	v11 =	vor.u32 $0x17, v6;
	v0 =	vpop (erf);
	(erf) = vpow2.f32 v3;
	v3 =	vmul.f32 $1.442695020e+00, v5;
	v5 =	vld [tilespmem:$0x1FF30];
	_ =	sdelay $0x1  }
0x19e: {  	v4 =	vadd.f32 v4, v40  }
0x19f: {  	v28 =	vor.u32 $0x18, v6;
	v30 =	vmul.f32 v58, v23  }
0x1a0: {  	v4 =	vmul.f32 $1.442695020e+00, v4;
	v24 =	vmul.f32 v58, v24;
	v15 =	vld.idx.msk [tilespmem:v15+s13+$0x0], $0xffff  }
0x1a1: {  	v25 =	vmul.f32 v58, v25;
	v11 =	vld.idx.msk [tilespmem:v11+s13+$0x0], $0xffff;
	v1 =	vpop (erf);
	[tilespmem:s20+$0x10300] =	vst v30;
	v5 =	vadd.f32 v9, v5  }
0x1a2: {  	v12 =	vmul.f32 v58, v26;
	(erf) = vpow2.f32 v4;
	v10 =	vadd.f32 v8, v2;
	v2 =	vpop (erf);
	v9 =	vld [tilespmem:$0x1FF40];
	[tilespmem:s20+$0x10380] =	vst v24  }
0x1a3: {  	v29 =	vor.u32 $0x1B, v6;
	v8 =	vpop (erf);
	(erf) = vpow2.f32 v3;
	v3 =	vmul.f32 $1.442695020e+00, v5;
	v5 =	vld [tilespmem:$0x1FF50];
	[tilespmem:s20+$0x10400] =	vst v25  }
0x1a4: {  	v13 =	vor.u32 $0x19, v6;
	v7 =	vld.idx.msk [tilespmem:v28+s13+$0x0], $0xffff;
	[tilespmem:s20+$0x10480] =	vst v12  }
0x1a5: {  	v12 =	vld [tilespmem:$0x1FF60]  }
0x1a6: {  	v27 =	vor.u32 $0x1A, v6  }
0x1a7: {  	v14 =	vmul.f32 v58, v19;
	v4 =	vmul.f32 $1.442695020e+00, v10  }
0x1a8: {  	s31 =	sor.u32 s18, s18;
	v23 =	vor.u32 $0x1C, v6;
	v17 =	vld.idx.msk [tilespmem:v29+s13+$0x0], $0xffff;
	v19 =	vmul.f32 v58, v20;
	v15 =	vadd.f32 v15, v9  }
0x1a9: {  	s21 =	sor.u32 $0x380, s31;
	v16 =	vor.u32 $0x1D, v6;
	v13 =	vld.idx.msk [tilespmem:v13+s13+$0x0], $0xffff;
	[tilespmem:s20+$0x10500] =	vst v14;
	v14 =	vmul.f32 v58, v38;
	v9 =	vpop (erf);
	(erf) = vpow2.f32 v4  }
0x1aa: {  	v5 =	vadd.f32 v11, v5;
	v4 =	vmul.f32 $1.442695020e+00, v15;
	v15 =	vadd.f32 v7, v12;
	v7 =	vld [tilespmem:$0x1FF70];
	[tilespmem:s21+$0x10200] =	vst v19  }
0x1ab: {  	v31 =	vor.u32 $0x1F, v6;
	v18 =	vld.idx.msk [tilespmem:v27+s13+$0x0], $0xffff;
	[tilespmem:s20+$0x14200] =	vst v14  }
0x1ac: {  	v21 =	vor.u32 $0x1E, v6;
	v5 =	vmul.f32 $1.442695020e+00, v5;
	v19 =	vld [tilespmem:$0x1FF80]  }
0x1ad: {  	v10 =	vpop (erf)  }
0x1ae: {  	(erf) = vpow2.f32 v3;
	v11 =	vld.idx.msk [tilespmem:v23+s13+$0x0], $0xffff;
	v3 =	vpop (erf)  }
0x1af: {  	v12 =	vld.idx.msk [tilespmem:v16+s13+$0x0], $0xffff;
	(erf) = vpow2.f32 v4;
	v4 =	vpop (erf);
	v16 =	vadd.f32 v13, v7  }
0x1b0: {  	v17 =	vadd.f32 v17, v37;
	v14 =	vld.idx.msk [tilespmem:v31+s13+$0x0], $0xffff;
	v15 =	vmul.f32 $1.442695020e+00, v15;
	(erf) = vpow2.f32 v5;
	v5 =	vpop (erf)  }
0x1b1: {  	s21 =	simm.s32 $0x20;
	v7 =	vor.u32 $0x20, v6;
	v13 =	vld.idx.msk [tilespmem:v21+s13+$0x0], $0xffff;
	v6 =	vpop (erf);
	v18 =	vadd.f32 v18, v19;
	v16 =	vmul.f32 $1.442695020e+00, v16  }
.LBB2_6:
0x1b2: {  	v19 =	vld [tilespmem:$0x1FFA0]  }
0x1b3: {  	v20 =	vmul.f32 $1.442695020e+00, v17;
	v17 =	vld [tilespmem:$0x1FFB0];
	_ =	sdelay $0x3  }
0x1b4: {  	v11 =	vadd.f32 v11, v19;
	v19 =	vpop (erf);
	(erf) = vpow2.f32 v15  }
0x1b5: {  	v12 =	vadd.f32 v12, v17;
	v17 =	vpop (erf);
	(erf) = vpow2.f32 v16;
	v16 =	vld [tilespmem:$0x1FFC0];
	_ =	sdelay $0x2  }
0x1b6: {  	v18 =	vmul.f32 $1.442695020e+00, v18;
	_ =	sdelay $0x1  }
0x1b7: {  	v13 =	vadd.f32 v13, v16;
	v16 =	vpop (erf);
	(erf) = vpow2.f32 v18;
	v18 =	vld [tilespmem:$0x1FFD0];
	_ =	sdelay $0x3  }
0x1b8: {  	v11 =	vmul.f32 $1.442695020e+00, v11  }
0x1b9: {  	v22 =	vmul.f32 $1.442695020e+00, v12;
	v21 =	vadd.f32 v14, v18;
	v18 =	vpop (erf);
	(erf) = vpow2.f32 v20  }
0x1ba: {  	v13 =	vmul.f32 $1.442695020e+00, v13;
	v15 =	vpop (erf);
	(erf) = vpow2.f32 v11  }
0x1bb: {  	v14 =	vpop (erf);
	(erf) = vpow2.f32 v22  }
0x1bc: {  	v7 =	vld.idx.msk [tilespmem:v7+s13+$0x0], $0xffff;
	v12 =	vpop (erf);
	(erf) = vpow2.f32 v13;
	v13 =	vmul.f32 v58, v36  }
0x1bd: {  	v36 =	vmovc v8;
	v8 =	vmul.f32 v58, v34;
	v34 =	vmovc v9;
	v9 =	vmul.f32 v58, v35;
	v35 =	vmov v10;
	v10 =	vld [tilespmem:$0x1FFE0]  }
0x1be: {  	v38 =	vmul.f32 v58, v56;
	v21 =	vmul.f32 $1.442695020e+00, v21  }
0x1bf: {  	v56 =	vadd.f32 v62, v61;
	v40 =	vmul.f32 v58, v53;
	v27 =	vadd.f32 v19, v6;
	[tilespmem:s20+$0x11200] =	vst v13  }
0x1c0: {  	v53 =	vadd.f32 v16, v17;
	v20 =	vpop (erf);
	(erf) = vpow2.f32 v21;
	v13 =	vmul.f32 v58, v54;
	[tilespmem:s20+$0x11280] =	vst v8  }
0x1c1: {  	v22 =	vadd.f32 v2, v1;
	v24 =	vadd.f32 v34, v36;
	v11 =	vpop (erf);
	v8 =	vmul.f32 v58, v55;
	[tilespmem:s20+$0x11300] =	vst v9  }
0x1c2: {  	v25 =	vadd.f32 v3, v35;
	v9 =	vmul.f32 v58, v57;
	[tilespmem:s20+$0x11380] =	vst v13;
	v7 =	vadd.f32 v7, v10;
	v10 =	vpop (erf)  }
0x1c3: {  	v55 =	vadd.f32 v59, v60;
	v57 =	vadd.f32 v0, v63;
	[tilespmem:s20+$0x11400] =	vst v8;
	v8 =	vmul.f32 v58, v43;
	v21 =	vpop (erf)  }
0x1c4: {  	v54 =	vadd.f32 v15, v18;
	v30 =	vadd.f32 v11, v20;
	v13 =	vmul.f32 v58, v45;
	[tilespmem:s20+$0x11500] =	vst v9;
	v23 =	vpop (erf)  }
0x1c5: {  	v24 =	vadd.f32 v25, v24;
	v43 =	vadd.f32 v5, v4;
	[tilespmem:s20+$0x12200] =	vst v8;
	v8 =	vmul.f32 v58, v51;
	v26 =	vpop (erf)  }
0x1c6: {  	v9 =	vmul.f32 v58, v50;
	v50 =	vadd.f32 v12, v14;
	v45 =	vmov v19;
	[tilespmem:s20+$0x11580] =	vst v13;
	v28 =	vpop (erf)  }
0x1c7: {  	v19 =	vadd.f32 v56, v55;
	v22 =	vadd.f32 v22, v57;
	[tilespmem:s20+$0x12400] =	vst v8;
	v8 =	vmul.f32 v58, v49;
	v29 =	vpop (erf)  }
0x1c8: {  	v13 =	vmul.f32 v58, v52;
	[tilespmem:s20+$0x12300] =	vst v9;
	v9 =	vmul.f32 v58, v42;
	v39 =	vadd.f32 v27, v43;
	v31 =	vpop (erf)  }
0x1c9: {  	v52 =	vadd.f32 v21, v10;
	v32 =	vadd.f32 v26, v23;
	[tilespmem:s20+$0x12500] =	vst v8;
	v8 =	vmul.f32 v58, v41;
	v33 =	vpop (erf)  }
0x1ca: {  	v7 =	vmul.f32 $1.442695020e+00, v7;
	[tilespmem:s20+$0x12380] =	vst v13;
	v51 =	vadd.f32 v29, v28;
	v37 =	vadd.f32 v33, v31  }
0x1cb: {  	v43 =	vmov v17;
	v13 =	vadd.f32 v30, v50;
	v17 =	vadd.f32 v32, v52;
	[tilespmem:s20+$0x13200] =	vst v8;
	v8 =	vld [tilespmem:$0x1FFF0]  }
0x1cc: {  	(erf) = vpow2.f32 v7;
	v7 =	vadd.f32 v54, v53;
	v55 =	vadd.f32 v37, v51  }
0x1cd: {  	v19 =	vadd.f32 v22, v19;
	[tilespmem:s20+$0x12480] =	vst v9;
	v9 =	vmul.f32 v58, v47;
	v56 =	vadd.f32 v39, v24  }
0x1ce: {  	v57 =	vmov s21;
	v7 =	vadd.f32 v13, v7;
	v13 =	vadd.f32 v55, v17  }
0x1cf: {  	[tilespmem:s20+$0x12580] =	vst v9;
	v9 =	vshll.u32 v57, $0x7  }
0x1d0: {  	v51 =	vmovc v14;
	v14 =	vld [tilespmem:$0x1FDA0];
	v8 =	vor.u32 v8, v9;
	v9 =	vadd.f32 v56, v19;
	v7 =	vadd.f32 v13, v7;
	_ =	sdelay $0x1  }
0x1d1: {  	[tilespmem:s20+$0x11480] =	vst v38;
	v52 =	vmov v15;
	v15 =	vmul.f32 v58, v44;
	v7 =	vadd.f32 v7, v9;
	v9 =	vld [tilespmem:$0x1FDB0]  }
0x1d2: {  	[tilespmem:s20+$0x12280] =	vst v40;
	v53 =	vmov v16;
	v16 =	vmul.f32 v58, v46  }
0x1d3: {  	[tilespmem:s20+$0x13400] =	vst v15;
	v17 =	vmul.f32 v58, v48  }
0x1d4: {  	v50 =	vmov v18;
	v18 =	vld [tilespmem:$0x1FDD0];
	[tilespmem:s20+$0x13280] =	vst v16;
	v14 =	vmul.f32 v58, v14  }
0x1d5: {  	[tilespmem:s20+$0x13300] =	vst v17;
	v55 =	vmov v4;
	v4 =	vld [tilespmem:$0x1FDE0]  }
0x1d6: {  	[tilespmem:s20+$0x13380] =	vst v14;
	v14 =	vld [tilespmem:$0x1FDC0];
	v16 =	vmul.f32 v58, v9;
	v9 =	vpop (erf)  }
0x1d7: {  	v41 =	vmov v10;
	v10 =	vld.idx.msk [tilespmem:v8+s13+$0x0], $0xffff;
	v32 =	vadd.f32 v7, v9  }
0x1d8: {  	v38 =	vld [tilespmem:$0x1FE20];
	v13 =	vor.u32 $0x1, v8  }
0x1d9: {  	v40 =	vld [tilespmem:$0x1FE40];
	v42 =	vmov v12;
	v12 =	vor.u32 $0x2, v8;
	(erf) = vrcp.f32 v32  }
0x1da: {  	v39 =	vld [tilespmem:$0x1FE30];
	v15 =	vmov v26;
	v17 =	vor.u32 $0x3, v8  }
0x1db: {  	v37 =	vld [tilespmem:$0x1FE10];
	[tilespmem:$0x1FDA0] =	vst v15;
	v19 =	vor.u32 $0x4, v8;
	v30 =	vmul.f32 v58, v14  }
0x1dc: {  	v47 =	vmovc v11;
	v18 =	vmul.f32 v58, v18;
	v11 =	vor.u32 $0x5, v8;
	[tilespmem:s20+$0x13480] =	vst v16;
	v10 =	vadd.f32 v10, v4;
	v4 =	vld [tilespmem:$0x1FDF0]  }
0x1dd: {  	v49 =	vmovc v20;
	v46 =	vmovc v21;
	v15 =	vor.u32 $0x6, v8;
	v21 =	vor.u32 $0xA, v8;
	v22 =	vor.u32 $0xD, v8;
	v13 =	vld.idx.msk [tilespmem:v13+s13+$0x0], $0xffff;
	[tilespmem:s20+$0x13500] =	vst v30  }
0x1de: {  	v44 =	vmovc v28;
	v48 =	vmovc v23;
	v23 =	vor.u32 $0xF, v8;
	v24 =	vor.u32 $0x10, v8;
	v16 =	vor.u32 $0x7, v8;
	v12 =	vld.idx.msk [tilespmem:v12+s13+$0x0], $0xffff;
	[tilespmem:s20+$0x13580] =	vst v18  }
0x1df: {  	v54 =	vmovc v3;
	v25 =	vor.u32 $0x12, v8;
	v26 =	vor.u32 $0x13, v8;
	v27 =	vor.u32 $0x14, v8;
	v14 =	vmovc v31;
	v3 =	vld.idx.msk [tilespmem:v17+s13+$0x0], $0xffff  }
0x1e0: {  	v20 =	vmovc v29;
	v56 =	vmovc v5;
	v28 =	vor.u32 $0x15, v8;
	v29 =	vor.u32 $0x16, v8;
	[tilespmem:$0x1FDC0] =	vst v14;
	v14 =	vor.u32 $0x8, v8;
	v5 =	vld.idx.msk [tilespmem:v19+s13+$0x0], $0xffff  }
0x1e1: {  	v57 =	vmovc v6;
	[tilespmem:$0x1FDB0] =	vst v20;
	v20 =	vor.u32 $0x9, v8;
	v7 =	vor.u32 $0x20, v8;
	v31 =	vor.u32 $0x18, v8;
	v6 =	vld.idx.msk [tilespmem:v11+s13+$0x0], $0xffff  }
0x1e2: {  	s18 =	sadd.s32 $0x80, s18;
	v30 =	vor.u32 $0x17, v8;
	v18 =	vmov v33;
	v10 =	vmul.f32 $1.442695020e+00, v10;
	v15 =	vld.idx.msk [tilespmem:v15+s13+$0x0], $0xffff;
	v58 =	vpop (erf)  }
0x1e3: {  	s30 =	sand.u32 $0x70, s19;
	s22 =	sand.u32 $0xC00, s18;
	[tilespmem:$0x1FDD0] =	vst v18;
	v17 =	vor.u32 $0xB, v8;
	v18 =	vor.u32 $0xC, v8;
	v16 =	vld.idx.msk [tilespmem:v16+s13+$0x0], $0xffff;
	v33 =	vmul.f32 v58, v60  }
0x1e4: {  	s20 =	sor.u32 s30, s22;
	v19 =	vor.u32 $0xE, v8;
	v13 =	vadd.f32 v13, v4;
	v4 =	vld [tilespmem:$0x1FE00];
	v60 =	vmul.f32 v58, v59  }
0x1e5: {  	v11 =	vor.u32 $0x11, v8;
	v14 =	vld.idx.msk [tilespmem:v14+s13+$0x0], $0xffff;
	v32 =	vadd.f32 v3, v37;
	v61 =	vmul.f32 v58, v61;
	[tilespmem:s20+$0x10200] =	vst v33  }
0x1e6: {  	v3 =	vor.u32 $0x1A, v8;
	v5 =	vadd.f32 v5, v38;
	v62 =	vmul.f32 v58, v62;
	v20 =	vld.idx.msk [tilespmem:v20+s13+$0x0], $0xffff;
	[tilespmem:s20+$0x10280] =	vst v60  }
0x1e7: {  	v13 =	vmul.f32 $1.442695020e+00, v13;
	v6 =	vadd.f32 v6, v39;
	v15 =	vadd.f32 v15, v40;
	v21 =	vld.idx.msk [tilespmem:v21+s13+$0x0], $0xffff;
	[tilespmem:s20+$0x10300] =	vst v61  }
0x1e8: {  	v38 =	vor.u32 $0x1B, v8;
	v39 =	vor.u32 $0x1C, v8;
	(erf) = vpow2.f32 v10;
	v17 =	vld.idx.msk [tilespmem:v17+s13+$0x0], $0xffff;
	[tilespmem:s20+$0x10380] =	vst v62  }
0x1e9: {  	v40 =	vor.u32 $0x1D, v8;
	v12 =	vadd.f32 v12, v4;
	(erf) = vpow2.f32 v13;
	v13 =	vld.idx.msk [tilespmem:v18+s13+$0x0], $0xffff  }
0x1ea: {  	v4 =	vor.u32 $0x19, v8;
	v33 =	vor.u32 $0x1E, v8;
	v18 =	vor.u32 $0x1F, v8;
	v8 =	vld [tilespmem:$0x1FE50];
	_ =	sdelay $0x1  }
0x1eb: {  	v10 =	vmul.f32 v58, v63  }
0x1ec: {  	v12 =	vmul.f32 $1.442695020e+00, v12  }
0x1ed: {  	v32 =	vmul.f32 $1.442695020e+00, v32;
	v0 =	vmul.f32 v58, v0;
	[tilespmem:s20+$0x10400] =	vst v10  }
0x1ee: {  	v5 =	vmul.f32 $1.442695020e+00, v5;
	(erf) = vpow2.f32 v12;
	v10 =	vld.idx.msk [tilespmem:v22+s13+$0x0], $0xffff;
	v8 =	vadd.f32 v16, v8  }
0x1ef: {  	(erf) = vpow2.f32 v32;
	[tilespmem:s20+$0x10480] =	vst v0;
	v0 =	vmul.f32 v58, v2;
	v2 =	vld [tilespmem:$0x1FE60]  }
0x1f0: {  	(erf) = vpow2.f32 v5;
	v5 =	vmul.f32 $1.442695020e+00, v8;
	v8 =	vld [tilespmem:$0x1FE70]  }
0x1f1: {  	v1 =	vmul.f32 v58, v1  }
0x1f2: {  	s31 =	sor.u32 s18, s19  }
0x1f3: {  	s22 =	sor.u32 $0x380, s31;
	v6 =	vmul.f32 $1.442695020e+00, v6;
	v12 =	vld.idx.msk [tilespmem:v19+s13+$0x0], $0xffff;
	[tilespmem:s20+$0x10500] =	vst v1  }
0x1f4: {  	v1 =	vmul.f32 v58, v9;
	v9 =	vld.idx.msk [tilespmem:v23+s13+$0x0], $0xffff;
	[tilespmem:s22+$0x10200] =	vst v0;
	v2 =	vadd.f32 v14, v2  }
0x1f5: {  	(erf) = vpow2.f32 v6;
	v6 =	vld.idx.msk [tilespmem:v24+s13+$0x0], $0xffff;
	v8 =	vadd.f32 v20, v8  }
0x1f6: {  	v15 =	vmul.f32 $1.442695020e+00, v15;
	v0 =	vmul.f32 $1.442695020e+00, v2;
	v2 =	vld [tilespmem:$0x1FE80]  }
0x1f7: {  	[tilespmem:s20+$0x14200] =	vst v1;
	v1 =	vmul.f32 $1.442695020e+00, v8;
	v8 =	vld [tilespmem:$0x1FE90]  }
0x1f8: {  	(erf) = vpow2.f32 v15  }
0x1f9: {  	(erf) = vpow2.f32 v5;
	v5 =	vld [tilespmem:$0x1FEA0];
	_ =	sdelay $0x1  }
0x1fa: {  	v2 =	vadd.f32 v21, v2  }
0x1fb: {  	v8 =	vadd.f32 v17, v8  }
0x1fc: {  	(erf) = vpow2.f32 v0;
	v2 =	vmul.f32 $1.442695020e+00, v2  }
0x1fd: {  	v60 =	vpop (erf);
	v5 =	vadd.f32 v13, v5;
	(erf) = vpow2.f32 v1;
	v0 =	vmul.f32 $1.442695020e+00, v8  }
0x1fe: {  	v59 =	vpop (erf);
	v11 =	vld.idx.msk [tilespmem:v11+s13+$0x0], $0xffff;
	(erf) = vpow2.f32 v2  }
0x1ff: {  	v61 =	vpop (erf);
	v1 =	vmul.f32 $1.442695020e+00, v5;
	(erf) = vpow2.f32 v0;
	v0 =	vld [tilespmem:$0x1FEE0]  }
0x200: {  	v8 =	vld [tilespmem:$0x1FEB0]  }
0x201: {  	v62 =	vpop (erf);
	(erf) = vpow2.f32 v1;
	v1 =	vld [tilespmem:$0x1FEF0]  }
0x202: {  	v5 =	vld [tilespmem:$0x1FEC0];
	_ =	sdelay $0x1  }
0x203: {  	v0 =	vadd.f32 v6, v0  }
0x204: {  	v13 =	vld.idx.msk [tilespmem:v25+s13+$0x0], $0xffff;
	v8 =	vadd.f32 v10, v8  }
0x205: {  	v1 =	vadd.f32 v11, v1;
	v11 =	vmul.f32 $1.442695020e+00, v0;
	v0 =	vld [tilespmem:$0x1FF00]  }
0x206: {  	v5 =	vadd.f32 v12, v5;
	v2 =	vmul.f32 $1.442695020e+00, v8;
	v8 =	vld [tilespmem:$0x1FED0];
	_ =	sdelay $0x1  }
0x207: {  	v5 =	vmul.f32 $1.442695020e+00, v5  }
0x208: {  	v63 =	vpop (erf);
	v10 =	vld.idx.msk [tilespmem:v26+s13+$0x0], $0xffff;
	(erf) = vpow2.f32 v2  }
0x209: {  	v2 =	vadd.f32 v13, v0;
	v0 =	vpop (erf);
	(erf) = vpow2.f32 v5;
	v5 =	vmul.f32 $1.442695020e+00, v1;
	v1 =	vld [tilespmem:$0x1FF10]  }
0x20a: {  	v8 =	vadd.f32 v9, v8;
	_ =	sdelay $0x1  }
0x20b: {  	v8 =	vmul.f32 $1.442695020e+00, v8  }
0x20c: {  	v9 =	vld.idx.msk [tilespmem:v28+s13+$0x0], $0xffff  }
0x20d: {  	v10 =	vadd.f32 v10, v1;
	v1 =	vpop (erf);
	(erf) = vpow2.f32 v8;
	v8 =	vld [tilespmem:$0x1FF30]  }
0x20e: {  	v16 =	vld.idx.msk [tilespmem:v3+s13+$0x0], $0xffff  }
0x20f: {  	v12 =	vld.idx.msk [tilespmem:v27+s13+$0x0], $0xffff  }
0x210: {  	v15 =	vmul.f32 $1.442695020e+00, v2;
	v2 =	vld [tilespmem:$0x1FF20]  }
0x211: {  	v6 =	vld.idx.msk [tilespmem:v29+s13+$0x0], $0xffff  }
0x212: {  	v3 =	vmul.f32 $1.442695020e+00, v10;
	v10 =	vadd.f32 v9, v8;
	v9 =	vld [tilespmem:$0x1FF40];
	_ =	sdelay $0x2  }
0x213: {  	v12 =	vadd.f32 v12, v2;
	v2 =	vpop (erf);
	(erf) = vpow2.f32 v11  }
0x214: {  	v14 =	vld.idx.msk [tilespmem:v30+s13+$0x0], $0xffff;
	v8 =	vpop (erf);
	(erf) = vpow2.f32 v5  }
0x215: {  	v6 =	vadd.f32 v6, v9;
	v9 =	vpop (erf);
	(erf) = vpow2.f32 v15;
	v15 =	vmul.f32 $1.442695020e+00, v10;
	v10 =	vld [tilespmem:$0x1FF50];
	_ =	sdelay $0x3  }
0x216: {  	v13 =	vld.idx.msk [tilespmem:v31+s13+$0x0], $0xffff  }
0x217: {  	v14 =	vadd.f32 v14, v10;
	v10 =	vpop (erf);
	(erf) = vpow2.f32 v3;
	v3 =	vld [tilespmem:$0x1FF60];
	_ =	sdelay $0x2  }
0x218: {  	v5 =	vmul.f32 $1.442695020e+00, v12  }
0x219: {  	v4 =	vld.idx.msk [tilespmem:v4+s13+$0x0], $0xffff  }
0x21a: {  	v19 =	vadd.f32 v13, v3;
	v3 =	vpop (erf);
	(erf) = vpow2.f32 v5;
	v5 =	vld [tilespmem:$0x1FF70];
	_ =	sdelay $0x3  }
0x21b: {  	v12 =	vld.idx.msk [tilespmem:v40+s13+$0x0], $0xffff  }
0x21c: {  	v40 =	vadd.f32 v4, v5;
	v5 =	vld [tilespmem:$0x1FF80];
	_ =	sdelay $0x2  }
0x21d: {  	v17 =	vld.idx.msk [tilespmem:v38+s13+$0x0], $0xffff;
	v6 =	vmul.f32 $1.442695020e+00, v6  }
0x21e: {  	v20 =	vmul.f32 $1.442695020e+00, v14;
	v14 =	vld.idx.msk [tilespmem:v18+s13+$0x0], $0xffff;
	v4 =	vpop (erf);
	(erf) = vpow2.f32 v15  }
0x21f: {  	p0 =	sne.s32 s21, $0x1F0;
	v18 =	vadd.f32 v16, v5;
	v5 =	vpop (erf);
	(erf) = vpow2.f32 v6;
	v6 =	vld [tilespmem:$0x1FF90]  }
.Ltmp2:
0x220: {  	_ = 	snop;
	(pc) =	sbr.rel @p0 .LBB2_6-.Ltmp2, $3  }
0x221: {  	_ =	sdelay $0x1  }
0x222: {  	v11 =	vld.idx.msk [tilespmem:v39+s13+$0x0], $0xffff;
	v15 =	vmul.f32 $1.442695020e+00, v19  }
0x223: {  	s19 =	smov.u32 s21;
	s21 =	sadd.s32 $0x10, s21;
	v13 =	vld.idx.msk [tilespmem:v33+s13+$0x0], $0xffff;
	v16 =	vmul.f32 $1.442695020e+00, v40;
	v17 =	vadd.f32 v17, v6;
	v6 =	vpop (erf);
	(erf) = vpow2.f32 v20  }
0x224: {  	_ = 	snop  }
0x225: {  	v19 =	vld [tilespmem:$0x1FFA0]  }
0x226: {  	v32 =	vld [tilespmem:$0x1FFB0]  }
0x227: {  	v37 =	vld [tilespmem:$0x1FFC0]  }
0x228: {  	v38 =	vld.idx.msk [tilespmem:v7+s13+$0x0], $0xffff  }
0x229: {  	v7 =	vld [tilespmem:$0x1FFD0];
	_ =	sdelay $0x1  }
0x22a: {  	v18 =	vmul.f32 $1.442695020e+00, v18;
	v28 =	vadd.f32 v9, v8;
	v19 =	vadd.f32 v11, v19;
	v11 =	vpop (erf)  }
0x22b: {  	v31 =	vmul.f32 $1.442695020e+00, v17;
	(erf) = vpow2.f32 v15;
	v17 =	vadd.f32 v12, v32;
	v12 =	vpop (erf)  }
0x22c: {  	(erf) = vpow2.f32 v16;
	v33 =	vmul.f32 $1.442695020e+00, v19;
	v19 =	vadd.f32 v13, v37;
	v13 =	vpop (erf)  }
0x22d: {  	v20 =	vadd.f32 v14, v7;
	(erf) = vpow2.f32 v18;
	v17 =	vmul.f32 $1.442695020e+00, v17;
	v7 =	vpop (erf)  }
0x22e: {  	v29 =	vadd.f32 v3, v10;
	v36 =	vmul.f32 v58, v36;
	(erf) = vpow2.f32 v31;
	v14 =	vpop (erf)  }
0x22f: {  	v30 =	vadd.f32 v5, v4;
	v19 =	vmul.f32 $1.442695020e+00, v19;
	(erf) = vpow2.f32 v33;
	v15 =	vpop (erf)  }
0x230: {  	v39 =	vld [tilespmem:$0x1FFE0];
	v20 =	vmul.f32 $1.442695020e+00, v20;
	v31 =	vadd.f32 v11, v6;
	(erf) = vpow2.f32 v17;
	v16 =	vpop (erf)  }
0x231: {  	v34 =	vmul.f32 v58, v34;
	(erf) = vpow2.f32 v19;
	v17 =	vpop (erf)  }
0x232: {  	v28 =	vadd.f32 v29, v28;
	v30 =	vadd.f32 v31, v30;
	(erf) = vpow2.f32 v20;
	v18 =	vpop (erf)  }
0x233: {  	v35 =	vmul.f32 v58, v35;
	[tilespmem:s20+$0x11200] =	vst v36;
	v29 =	vadd.f32 v16, v15;
	v31 =	vadd.f32 v18, v17  }
0x234: {  	v23 =	vadd.f32 v59, v60;
	v25 =	vadd.f32 v62, v61;
	v57 =	vmul.f32 v58, v57;
	[tilespmem:s20+$0x11280] =	vst v34;
	v19 =	vpop (erf)  }
0x235: {  	[tilespmem:s20+$0x11300] =	vst v35;
	v24 =	vadd.f32 v38, v39;
	v20 =	vpop (erf);
	v29 =	vadd.f32 v31, v29;
	v31 =	vmul.f32 v58, v54  }
0x236: {  	[tilespmem:s20+$0x11500] =	vst v57;
	v21 =	vpop (erf);
	v54 =	vmul.f32 v58, v55  }
0x237: {  	v26 =	vadd.f32 v0, v63;
	v33 =	vadd.f32 v25, v23;
	v55 =	vmul.f32 v58, v56;
	v22 =	vpop (erf);
	[tilespmem:s20+$0x11380] =	vst v31  }
0x238: {  	v38 =	vadd.f32 v20, v19;
	v23 =	vpop (erf);
	v39 =	vadd.f32 v22, v21;
	[tilespmem:s20+$0x11400] =	vst v54;
	v54 =	vmul.f32 v58, v41  }
0x239: {  	v27 =	vadd.f32 v2, v1;
	v40 =	vmul.f32 $1.442695020e+00, v24;
	[tilespmem:s20+$0x11480] =	vst v55;
	v55 =	vmul.f32 v58, v46;
	v24 =	vpop (erf)  }
0x23a: {  	v25 =	vpop (erf);
	v34 =	vadd.f32 v39, v38;
	v38 =	vmul.f32 v58, v43;
	[tilespmem:s20+$0x13200] =	vst v54  }
0x23b: {  	v27 =	vadd.f32 v27, v26;
	(erf) = vpow2.f32 v40;
	v39 =	vmul.f32 v58, v53;
	[tilespmem:s20+$0x13280] =	vst v55;
	v26 =	vpop (erf)  }
0x23c: {  	v36 =	vadd.f32 v24, v23;
	v43 =	vmul.f32 v58, v52;
	v40 =	vadd.f32 v26, v25;
	[tilespmem:s20+$0x12200] =	vst v38  }
0x23d: {  	v52 =	vmul.f32 v58, v49;
	[tilespmem:s20+$0x12280] =	vst v39  }
0x23e: {  	v53 =	vmul.f32 v58, v47;
	[tilespmem:s20+$0x12380] =	vst v43;
	v40 =	vadd.f32 v40, v36  }
0x23f: {  	[tilespmem:s20+$0x12500] =	vst v52;
	v36 =	vmul.f32 v58, v45  }
0x240: {  	[tilespmem:s20+$0x12580] =	vst v53;
	v56 =	vadd.f32 v40, v34;
	v40 =	vmul.f32 v58, v50  }
0x241: {  	v32 =	vadd.f32 v13, v12;
	v37 =	vadd.f32 v14, v7;
	[tilespmem:s20+$0x11580] =	vst v36;
	v50 =	vmul.f32 v58, v51  }
0x242: {  	v27 =	vadd.f32 v27, v33;
	v51 =	vmul.f32 v58, v42;
	[tilespmem:s20+$0x12300] =	vst v40  }
0x243: {  	v32 =	vadd.f32 v37, v32;
	v28 =	vadd.f32 v30, v28;
	[tilespmem:s20+$0x12400] =	vst v50  }
0x244: {  	[tilespmem:s20+$0x12480] =	vst v51  }
0x245: {  	v27 =	vadd.f32 v28, v27;
	v29 =	vadd.f32 v29, v32;
	v28 =	vld [tilespmem:$0x1FDA0];
	_ =	sdelay $0x1  }
0x246: {  	v37 =	vadd.f32 v56, v29;
	_ =	sdelay $0x1  }
0x247: {  	v56 =	vmul.f32 v58, v48;
	v27 =	vadd.f32 v37, v27  }
0x248: {  	v45 =	vpop (erf);
	v28 =	vmul.f32 v58, v28  }
0x249: {  	[tilespmem:s20+$0x13300] =	vst v56;
	v27 =	vadd.f32 v27, v45  }
0x24a: {  	[tilespmem:s20+$0x13380] =	vst v28  }
0x24b: {  	v57 =	vmul.f32 v58, v44;
	(erf) = vrcp.f32 v27;
	v28 =	vld [tilespmem:$0x1FDB0];
	_ =	sdelay $0x1  }
0x24c: {  	[tilespmem:s20+$0x13400] =	vst v57  }
0x24d: {  	v27 =	vld [tilespmem:$0x1FDC0]  }
0x24e: {  	v29 =	vld [tilespmem:$0x1FDD0]  }
0x24f: {  	v28 =	vmul.f32 v58, v28;
	_ =	sdelay $0x2  }
0x250: {  	v27 =	vmul.f32 v58, v27  }
0x251: {  	s21 =	sadd.s32 $0x80, s18;
	v29 =	vmul.f32 v58, v29;
	[tilespmem:s20+$0x13480] =	vst v28;
	v28 =	vpop (erf)  }
0x252: {  	s30 =	sand.u32 $0x70, s19;
	s22 =	sand.u32 $0xC00, s21;
	[tilespmem:s20+$0x13500] =	vst v27;
	v60 =	vmul.f32 v28, v60  }
0x253: {  	s18 =	sor.u32 s30, s22;
	[tilespmem:s20+$0x13580] =	vst v29;
	v32 =	vmul.f32 v28, v59  }
0x254: {  	v33 =	vmul.f32 v28, v61;
	[tilespmem:s18+$0x10200] =	vst v60  }
0x255: {  	v34 =	vmul.f32 v28, v62;
	[tilespmem:s18+$0x10280] =	vst v32  }
0x256: {  	v35 =	vmul.f32 v28, v63;
	[tilespmem:s18+$0x10300] =	vst v33  }
0x257: {  	v36 =	vmul.f32 v28, v0;
	[tilespmem:s18+$0x10380] =	vst v34  }
0x258: {  	v37 =	vmul.f32 v28, v1;
	[tilespmem:s18+$0x10400] =	vst v35  }
0x259: {  	s31 =	sor.u32 s21, s19;
	v38 =	vmul.f32 v28, v2;
	[tilespmem:s18+$0x10480] =	vst v36  }
0x25a: {  	s19 =	sor.u32 $0x380, s31;
	v39 =	vmul.f32 v28, v45;
	[tilespmem:s18+$0x10500] =	vst v37  }
0x25b: {  	v40 =	vmul.f32 v28, v8;
	[tilespmem:s19+$0x10200] =	vst v38  }
0x25c: {  	v41 =	vmul.f32 v28, v9;
	[tilespmem:s18+$0x14200] =	vst v39  }
0x25d: {  	v42 =	vmul.f32 v28, v10;
	[tilespmem:s18+$0x11200] =	vst v40  }
0x25e: {  	v43 =	vmul.f32 v28, v3;
	[tilespmem:s18+$0x11280] =	vst v41  }
0x25f: {  	v44 =	vmul.f32 v28, v4;
	[tilespmem:s18+$0x11300] =	vst v42  }
0x260: {  	v45 =	vmul.f32 v28, v5;
	[tilespmem:s18+$0x11380] =	vst v43  }
0x261: {  	v46 =	vmul.f32 v28, v6;
	[tilespmem:s18+$0x11400] =	vst v44  }
0x262: {  	v47 =	vmul.f32 v28, v11;
	[tilespmem:s18+$0x11480] =	vst v45  }
0x263: {  	v48 =	vmul.f32 v28, v12;
	[tilespmem:s18+$0x11500] =	vst v46  }
0x264: {  	v49 =	vmul.f32 v28, v13;
	[tilespmem:s18+$0x11580] =	vst v47  }
0x265: {  	v50 =	vmul.f32 v28, v7;
	[tilespmem:s18+$0x12200] =	vst v48  }
0x266: {  	v51 =	vmul.f32 v28, v14;
	[tilespmem:s18+$0x12280] =	vst v49  }
0x267: {  	v52 =	vmul.f32 v28, v15;
	[tilespmem:s18+$0x12300] =	vst v50  }
0x268: {  	v53 =	vmul.f32 v28, v16;
	[tilespmem:s18+$0x12380] =	vst v51  }
0x269: {  	v54 =	vmul.f32 v28, v17;
	[tilespmem:s18+$0x12400] =	vst v52  }
0x26a: {  	v55 =	vmul.f32 v28, v18;
	[tilespmem:s18+$0x12480] =	vst v53  }
0x26b: {  	v56 =	vmul.f32 v28, v19;
	[tilespmem:s18+$0x12500] =	vst v54  }
0x26c: {  	v57 =	vmul.f32 v28, v20;
	[tilespmem:s18+$0x12580] =	vst v55  }
0x26d: {  	v58 =	vmul.f32 v28, v21;
	[tilespmem:s18+$0x13200] =	vst v56  }
0x26e: {  	v59 =	vmul.f32 v28, v22;
	[tilespmem:s18+$0x13280] =	vst v57  }
0x26f: {  	v60 =	vmul.f32 v28, v23;
	[tilespmem:s18+$0x13300] =	vst v58  }
0x270: {  	v61 =	vmul.f32 v28, v24;
	[tilespmem:s18+$0x13380] =	vst v59  }
0x271: {  	v62 =	vmul.f32 v28, v25;
	[tilespmem:s18+$0x13400] =	vst v60  }
0x272: {  	s17 =	sadd.s32 $0x1, s17;
	v63 =	vmul.f32 v28, v26;
	[tilespmem:s18+$0x13480] =	vst v61  }
0x273: {  	p0 =	sne.s32 s17, s7;
	[tilespmem:s18+$0x13500] =	vst v62  }
.Ltmp3:
0x274: {  	[tilespmem:s18+$0x13580] =	vst v63;
	(pc) =	sbr.rel @p0 .LBB2_1-.Ltmp3, $4  }
0x275: {  	[hbm4b:s6+s14] =	stream.strided.scatter [tilespmem:s16], [sflag:$0x2], $0x5000, s15, s14, $0x38;
	[tilespmem:$0x15280] =	vst v63  }
0x276: {  	_ =	swait.ge [sflag:s9], $0x5000  }
0x277: {  	[sflag:s9] =	ssyncset.done $0x0  }
0x278: {  	v4 =	vld [tilespmem:$0x1FFF0];
	[sflag:s9] =	ssyncadd.s32 $0xFFFFB000  }
0x279: {  	_ =	sfence.sel $0x180000  }
0x27a: {  	[bflag:$0x0] =	sbarrier.arrive $0xFFFF  }
0x27b: {  	p0 =	sne.s32 s2, $0x0;
	_ =	strace $0x90000047  }
0x27c: {  	s0 =	sadd.s32 @!p0 $0x100000, s0;
	[bflag:$0x2] =	sbarrier.arrive $0xFFFF  }
0x27d: {  	[sflag:s0] =	ssyncadd.tile.s32 @!p0 $0x1;
	_ =	shalt  }
.Lfunc_end2:
_tile_overlayer_lowered:
.L_overlay_start_2:
0x27e: {  	(tag) =	ssettag $0x2  }
0x27f: {  	s0 =	rddreg [dreg:$0x0];
	s2 =	stileid.u32  }
0x280: {  	s1 =	rddreg [dreg:$0x1];
	p0 =	sne.s32 s2, $0x0  }
0x281: {  	s3 =	rddreg [dreg:$0x2];
	[bflag:$0x3] =	sbarrier.arrive $0xFFFF;
	s2 =	simm.s32 @!p0 $0x1C02  }
0x282: {  	[timem:s3], [sflag:s2] =	dma.local @!p0 [hbm:s0], s1  }
0x283: {  	s0 =	simm.s32 @!p0 $0x2  }
0x284: {  	_ =	swait.ge @!p0 [sflag:s0], s1  }
0x285: {  	s1 =	ssub.s32 @!p0 $0x0, s1;
	[sflag:s0] =	ssyncset.done @!p0 $0x0  }
0x286: {  	[sflag:s0] =	ssyncadd.s32 @!p0 s1  }
0x287: {  	[bflag:$0x3] =	sbarrier.arrive $0xFFFF  }
0x288: {  	_ =	shalt  }

</sc_bundles>
